<compile_context>
chip_gen: v7x
topology: tpu7x:2x2x1
jax: 0.10.2.dev20260603
libtpu: 0.0.44.dev20260713+nightly
codegen_flags: <defaults>
</compile_context>

<pallas_src>
import functools

import jax
import jax.numpy as jnp
from jax import lax
from jax.experimental import pallas as pl
from jax.experimental.pallas import tpu as pltpu
from jax.experimental.pallas import tpu_sc as plsc

NC = 2
NS = 16
NW = NC * NS
LANES = 16


def _rowsum_kernel(x, n_pad):

    def body(x_ref, out_ref):
        out_ref[...] = jnp.sum(x_ref[...], axis=-1)

    d = x.shape[1]
    blk = 2048
    assert n_pad % blk == 0 and n_pad - blk < x.shape[0], \
        "every block must overlap valid rows"
    return pl.pallas_call(
        body,
        grid=(n_pad // blk,),
        in_specs=[pl.BlockSpec((blk, d), lambda i: (i, 0))],
        out_specs=pl.BlockSpec((blk,), lambda i: (i,)),
        out_shape=jax.ShapeDtypeStruct((n_pad,), jnp.float32),
    )(x)


def _fused_sc_kernel(ei_flat, rs_pad, *, e, n_pad, cpw, seg):
    mesh = plsc.VectorSubcoreMesh(core_axis_name="c", subcore_axis_name="s")

    @functools.partial(
        pl.kernel,
        mesh=mesh,
        out_type=jax.ShapeDtypeStruct((e,), jnp.float32),
        scratch_types=[
            pltpu.VMEM((2 * cpw,), jnp.int32),
            pltpu.VMEM((2 * cpw,), jnp.float32),
            pltpu.VMEM((seg,), jnp.float32),
            pltpu.VMEM((seg,), jnp.float32),
            pltpu.VMEM((n_pad,), jnp.float32),
            pltpu.VMEM((n_pad,), jnp.float32),
            pltpu.VMEM((cpw,), jnp.int32),
            pltpu.VMEM((cpw,), jnp.int32),
            pltpu.VMEM((cpw,), jnp.float32),
            pltpu.VMEM_SHARED((n_pad,), jnp.float32),
            pltpu.VMEM_SHARED((n_pad,), jnp.float32),
            pltpu.VMEM_SHARED((n_pad,), jnp.float32),
            pltpu.SemaphoreType.DMA,
            pltpu.SemaphoreType.DMA,
            pltpu.SemaphoreType.DMA,
            pltpu.SemaphoreType.DMA,
        ],
        compiler_params=pltpu.CompilerParams(needs_layout_passes=False),
    )
    def k(ei_hbm, rs_hbm, out_hbm, idx_v, ones_v, seg_v, rs_v, s_v, tt_v,
          fi_v, ti_v, o_v, deg_sh, s_sh, t_sh, sem_h, sem_f, sem_t, sem_r):
        cid = lax.axis_index("c")
        sid = lax.axis_index("s")
        wid = cid * NS + sid
        sbase = pl.multiple_of(sid * seg, 8)
        ebase = pl.multiple_of(wid * cpw, 8)
        hbase = pl.multiple_of(e + sid * (2 * cpw), 8)

        hist_cp = pltpu.async_copy(ei_hbm.at[pl.ds(hbase, 2 * cpw)], idx_v,
                                   sem_h)
        from_cp = pltpu.async_copy(ei_hbm.at[pl.ds(ebase, cpw)], fi_v, sem_f)
        to_cp = pltpu.async_copy(ei_hbm.at[pl.ds(e + ebase, cpw)], ti_v,
                                 sem_t)
        rs_cp = pltpu.async_copy(rs_hbm.at[pl.ds(sbase, seg)], rs_v, sem_r)

        ones16 = jnp.full((LANES,), 1.0, jnp.float32)
        zeros16 = jnp.zeros((LANES,), jnp.float32)

        @plsc.parallel_loop(0, seg // LANES, unroll=8)
        def _(i):
            seg_v[pl.ds(i * LANES, LANES)] = zeros16

        pltpu.sync_copy(seg_v, deg_sh.at[pl.ds(sbase, seg)])

        @plsc.parallel_loop(0, (2 * cpw) // LANES, unroll=8)
        def _(i):
            ones_v[pl.ds(i * LANES, LANES)] = ones16

        hist_cp.wait()
        plsc.subcore_barrier()

        pltpu.sync_copy(ones_v, deg_sh.at[idx_v], add=True)
        plsc.subcore_barrier()

        pltpu.sync_copy(deg_sh.at[pl.ds(sbase, seg)], seg_v)
        rs_cp.wait()

        @plsc.parallel_loop(0, seg // LANES, unroll=4)
        def _(i):
            sl = pl.ds(i * LANES, LANES)
            d = seg_v[sl]
            ibits = plsc.bitcast(d, jnp.int32)
            y = plsc.bitcast(
                jnp.full((LANES,), 0x5F3759DF, jnp.int32)
                - lax.shift_right_logical(ibits, 1),
                jnp.float32,
            )
            hd = 0.5 * d
            y = y * (1.5 - hd * y * y)
            y = y * (1.5 - hd * y * y)
            y = y * (1.5 - hd * y * y)
            t = jnp.where(d == 0.0, 0.0, y)
            seg_v[sl] = t
            rs_v[sl] = t * rs_v[sl]

        pltpu.sync_copy(rs_v, s_sh.at[pl.ds(sbase, seg)])
        pltpu.sync_copy(seg_v, t_sh.at[pl.ds(sbase, seg)])
        plsc.subcore_barrier()

        pltpu.sync_copy(s_sh, s_v)
        pltpu.sync_copy(t_sh, tt_v)
        from_cp.wait()
        to_cp.wait()

        @plsc.parallel_loop(0, cpw // LANES, unroll=8)
        def _(i):
            sl = pl.ds(i * LANES, LANES)
            sv = plsc.load_gather(s_v, [fi_v[sl]])
            tv = plsc.load_gather(tt_v, [ti_v[sl]])
            o_v[sl] = sv * tv

        pltpu.sync_copy(o_v, out_hbm.at[pl.ds(ebase, cpw)])

    return k(ei_flat, rs_pad)


def kernel(x, edge_index):
    n, d = x.shape
    e = edge_index.shape[1]
    assert e % (NW * LANES) == 0, "edge count must split across subcores"
    cpw = e // NW
    n_pad = -(-n // (NS * LANES)) * (NS * LANES)
    seg = n_pad // NS

    ei_flat = edge_index.astype(jnp.int32).reshape(2 * e)
    rs_pad = _rowsum_kernel(x, n_pad)
    return _fused_sc_kernel(ei_flat, rs_pad, e=e, n_pad=n_pad, cpw=cpw, seg=seg)

# --- scband reference (transcript-rebuilt; emitter-appended) ---
"""Pipeline reference for scband-light-gcnconv-90537910600256 (READ-ONLY COPY).

The authoritative reference and input builder live on the scoring server;
editing this copy changes nothing except your own understanding.
"""

import jax, jax.numpy as jnp
import numpy as np

N_NODES = 10000
N_EDGES = 320000
D_FEAT = 128


def setup_inputs(seed: int = 0) -> dict:
    key = jax.random.key(seed)
    kx, ke = jax.random.split(key)
    x = jax.random.normal(kx, (N_NODES, D_FEAT), dtype=jnp.float32)
    edge_index = jax.random.randint(ke, (2, N_EDGES), 0, N_NODES, dtype=jnp.int64)
    return {"x": x, "edge_index": edge_index}


def reference(x, edge_index):
    # LightGCNConv.forward
    from_ = edge_index[0]
    to_ = edge_index[1]
    # deg = torch.bincount(to_); use length=N for jit-compatibility and safe indexing by from_
    deg = jnp.bincount(to_, length=x.shape[0])
    # deg_inv_sqrt = deg.pow(-0.5); deg_inv_sqrt[inf] = 0
    deg_f = deg.astype(x.dtype)
    deg_inv_sqrt = jnp.where(deg == 0, jnp.zeros_like(deg_f), 1.0 / jnp.sqrt(jnp.maximum(deg_f, 1.0)))
    norm = deg_inv_sqrt[from_] * deg_inv_sqrt[to_]
    # propagate: row, col = edge_index; matmul(norm.view(-1,1) * x[row], ones(d))
    row = from_
    gathered = norm[:, None] * x[row]  # [E, d] gather (memory-bound)
    out = jnp.matmul(gathered, jnp.ones((x.shape[1],), dtype=x.dtype))  # [E]
    return out

if __name__ == "__main__":
    import jax
    _d = setup_inputs()
    print(jax.jit(kernel)(*tuple(_d.values())))

</pallas_src>

<mosaic_0001>
#map = affine_map<(d0, d1) -> (0)>
module attributes {stable_mosaic.version = 14 : i64} {
  func.func @k(%arg0: i32, %arg1: i32, %arg2: memref<640000xi32, #tpu.memory_space<hbm>>, %arg3: memref<10240xf32, #tpu.memory_space<hbm>>, %arg4: memref<320000xf32, #tpu.memory_space<hbm>>, %arg5: memref<20000xi32, #tpu.memory_space<vmem>>, %arg6: memref<20000xf32, #tpu.memory_space<vmem>>, %arg7: memref<640xf32, #tpu.memory_space<vmem>>, %arg8: memref<640xf32, #tpu.memory_space<vmem>>, %arg9: memref<10240xf32, #tpu.memory_space<vmem>>, %arg10: memref<10240xf32, #tpu.memory_space<vmem>>, %arg11: memref<10000xi32, #tpu.memory_space<vmem>>, %arg12: memref<10000xi32, #tpu.memory_space<vmem>>, %arg13: memref<10000xf32, #tpu.memory_space<vmem>>, %arg14: memref<10240xf32, #tpu.memory_space<vmem_shared>>, %arg15: memref<10240xf32, #tpu.memory_space<vmem_shared>>, %arg16: memref<10240xf32, #tpu.memory_space<vmem_shared>>, %arg17: memref<!tpu.dma_semaphore, #tpu.memory_space<semaphore_mem>>, %arg18: memref<!tpu.dma_semaphore, #tpu.memory_space<semaphore_mem>>, %arg19: memref<!tpu.dma_semaphore, #tpu.memory_space<semaphore_mem>>, %arg20: memref<!tpu.dma_semaphore, #tpu.memory_space<semaphore_mem>>) attributes {dimension_semantics = [#tpu.dimension_semantics<core_parallel>, #tpu.dimension_semantics<subcore_parallel>], iteration_bounds = array<i64: 2, 16>, scalar_prefetch = 0 : i64, scratch_operands = 16 : i64, tpu.core_type = #tpu.core_type<sc_vector_subcore>, window_params = [{transform_indices = #map}, {transform_indices = #map}, {transform_indices = #map}]} {
    %mul3A = arith.constant 16 : i32
    %mul3A_0 = arith.muli %arg0, %mul3A : i32
    %add3A = arith.addi %mul3A_0, %arg1 : i32
    %mul3A_1 = arith.constant 640 : i32
    %mul3A_2 = arith.muli %arg1, %mul3A_1 : i32
    %multiple_of3A = tpu.assume_multiple %mul3A_2, 8 : i32
    %mul3A_3 = arith.constant 10000 : i32
    %mul3A_4 = arith.muli %add3A, %mul3A_3 : i32
    %multiple_of3A_5 = tpu.assume_multiple %mul3A_4, 8 : i32
    %mul3A_6 = arith.constant 20000 : i32
    %mul3A_7 = arith.muli %arg1, %mul3A_6 : i32
    %add3A_8 = arith.constant 320000 : i32
    %add3A_9 = arith.addi %add3A_8, %mul3A_7 : i32
    %multiple_of3A_10 = tpu.assume_multiple %add3A_9, 8 : i32
    %dma_start3A = tpu.memref_slice %arg2[%multiple_of3A_10] : memref<640000xi32, #tpu.memory_space<hbm>> -> memref<20000xi32, #tpu.memory_space<hbm>>
    %dma_start3A_11 = tpu.memref_slice %arg2[%multiple_of3A_10] : memref<640000xi32, #tpu.memory_space<hbm>> -> memref<20000xi32, #tpu.memory_space<hbm>>
    tpu.enqueue_dma source(%dma_start3A_11 : memref<20000xi32, #tpu.memory_space<hbm>>) target(%arg5 : memref<20000xi32, #tpu.memory_space<vmem>>) target_semaphore(%arg17 : memref<!tpu.dma_semaphore, #tpu.memory_space<semaphore_mem>>)
    %dma_start3A_12 = tpu.memref_slice %arg2[%multiple_of3A_5] : memref<640000xi32, #tpu.memory_space<hbm>> -> memref<10000xi32, #tpu.memory_space<hbm>>
    %dma_start3A_13 = tpu.memref_slice %arg2[%multiple_of3A_5] : memref<640000xi32, #tpu.memory_space<hbm>> -> memref<10000xi32, #tpu.memory_space<hbm>>
    tpu.enqueue_dma source(%dma_start3A_13 : memref<10000xi32, #tpu.memory_space<hbm>>) target(%arg11 : memref<10000xi32, #tpu.memory_space<vmem>>) target_semaphore(%arg18 : memref<!tpu.dma_semaphore, #tpu.memory_space<semaphore_mem>>)
    %add3A_14 = arith.constant 320000 : i32
    %add3A_15 = arith.addi %add3A_14, %multiple_of3A_5 : i32
    %dma_start3A_16 = tpu.memref_slice %arg2[%add3A_15] : memref<640000xi32, #tpu.memory_space<hbm>> -> memref<10000xi32, #tpu.memory_space<hbm>>
    %dma_start3A_17 = tpu.memref_slice %arg2[%add3A_15] : memref<640000xi32, #tpu.memory_space<hbm>> -> memref<10000xi32, #tpu.memory_space<hbm>>
    tpu.enqueue_dma source(%dma_start3A_17 : memref<10000xi32, #tpu.memory_space<hbm>>) target(%arg12 : memref<10000xi32, #tpu.memory_space<vmem>>) target_semaphore(%arg19 : memref<!tpu.dma_semaphore, #tpu.memory_space<semaphore_mem>>)
    %dma_start3A_18 = tpu.memref_slice %arg3[%multiple_of3A] : memref<10240xf32, #tpu.memory_space<hbm>> -> memref<640xf32, #tpu.memory_space<hbm>>
    %dma_start3A_19 = tpu.memref_slice %arg3[%multiple_of3A] : memref<10240xf32, #tpu.memory_space<hbm>> -> memref<640xf32, #tpu.memory_space<hbm>>
    tpu.enqueue_dma source(%dma_start3A_19 : memref<640xf32, #tpu.memory_space<hbm>>) target(%arg8 : memref<640xf32, #tpu.memory_space<vmem>>) target_semaphore(%arg20 : memref<!tpu.dma_semaphore, #tpu.memory_space<semaphore_mem>>)
    %broadcast_in_dim3A = arith.constant 1.000000e+00 : f32
    %broadcast_in_dim3A_20 = vector.broadcast %broadcast_in_dim3A : f32 to vector<16xf32>
    %broadcast_in_dim3A_21 = arith.constant 0.000000e+00 : f32
    %broadcast_in_dim3A_22 = vector.broadcast %broadcast_in_dim3A_21 : f32 to vector<16xf32>
    %parallel_loop3A = arith.constant 0 : i32
    %parallel_loop3A_23 = arith.constant 40 : i32
    %parallel_loop3A_24 = arith.constant 1 : i32
    scf.for %parallel_loop3A_43 = %parallel_loop3A to %parallel_loop3A_23 step %parallel_loop3A_24  : i32 {
      %parallel_loop3A_44 = arith.constant 16 : i32
      %parallel_loop3A_45 = arith.muli %parallel_loop3A_43, %parallel_loop3A_44 : i32
      %parallel_loop3A_46 = arith.index_cast %parallel_loop3A_45 : i32 to index
      %parallel_loop3A_47 = tpu.vector_load %arg7[%parallel_loop3A_46] {strides = array<i32>} : memref<640xf32, #tpu.memory_space<vmem>>, vector<16xf32>,
      tpu.vector_store %arg7[%parallel_loop3A_46], %broadcast_in_dim3A_22 {strides = array<i32>} : memref<640xf32, #tpu.memory_space<vmem>>, vector<16xf32>,
    } {sc.loop_unroll_factor = 8 : i64, sc.parallel_access}
    "tpu.region"() ({
      %run_scoped3A = tpu.sem_alloc : memref<!tpu.dma_semaphore, #tpu.memory_space<semaphore_mem>>
      %dma_start3A_43 = tpu.memref_slice %arg14[%multiple_of3A] : memref<10240xf32, #tpu.memory_space<vmem_shared>> -> memref<640xf32, #tpu.memory_space<vmem_shared>>
      %dma_start3A_44 = tpu.memref_slice %arg14[%multiple_of3A] : memref<10240xf32, #tpu.memory_space<vmem_shared>> -> memref<640xf32, #tpu.memory_space<vmem_shared>>
      tpu.enqueue_dma source(%arg7 : memref<640xf32, #tpu.memory_space<vmem>>) target(%dma_start3A_44 : memref<640xf32, #tpu.memory_space<vmem_shared>>) target_semaphore(%run_scoped3A : memref<!tpu.dma_semaphore, #tpu.memory_space<semaphore_mem>>)
      %dma_wait3A_45 = tpu.memref_slice %arg14[%multiple_of3A] : memref<10240xf32, #tpu.memory_space<vmem_shared>> -> memref<640xf32, #tpu.memory_space<vmem_shared>>
      %dma_wait3A_46 = tpu.memref_slice %arg14[%multiple_of3A] : memref<10240xf32, #tpu.memory_space<vmem_shared>> -> memref<640xf32, #tpu.memory_space<vmem_shared>>
      tpu.wait_dma2 semaphore(%run_scoped3A : memref<!tpu.dma_semaphore, #tpu.memory_space<semaphore_mem>>) src(%arg7 : memref<640xf32, #tpu.memory_space<vmem>>) dst(%dma_wait3A_46 : memref<640xf32, #tpu.memory_space<vmem_shared>>)
      tpu.yield
    }) : () -> ()
    %parallel_loop3A_25 = arith.constant 0 : i32
    %parallel_loop3A_26 = arith.constant 1250 : i32
    %parallel_loop3A_27 = arith.constant 1 : i32
    scf.for %parallel_loop3A_43 = %parallel_loop3A_25 to %parallel_loop3A_26 step %parallel_loop3A_27  : i32 {
      %parallel_loop3A_44 = arith.constant 16 : i32
      %parallel_loop3A_45 = arith.muli %parallel_loop3A_43, %parallel_loop3A_44 : i32
      %parallel_loop3A_46 = arith.index_cast %parallel_loop3A_45 : i32 to index
      %parallel_loop3A_47 = tpu.vector_load %arg6[%parallel_loop3A_46] {strides = array<i32>} : memref<20000xf32, #tpu.memory_space<vmem>>, vector<16xf32>,
      tpu.vector_store %arg6[%parallel_loop3A_46], %broadcast_in_dim3A_20 {strides = array<i32>} : memref<20000xf32, #tpu.memory_space<vmem>>, vector<16xf32>,
    } {sc.loop_unroll_factor = 8 : i64, sc.parallel_access}
    %dma_wait3A = tpu.memref_slice %arg2[%multiple_of3A_10] : memref<640000xi32, #tpu.memory_space<hbm>> -> memref<20000xi32, #tpu.memory_space<hbm>>
    %dma_wait3A_28 = tpu.memref_slice %arg2[%multiple_of3A_10] : memref<640000xi32, #tpu.memory_space<hbm>> -> memref<20000xi32, #tpu.memory_space<hbm>>
    tpu.wait_dma2 semaphore(%arg17 : memref<!tpu.dma_semaphore, #tpu.memory_space<semaphore_mem>>) src(%dma_wait3A_28 : memref<20000xi32, #tpu.memory_space<hbm>>) dst(%arg5 : memref<20000xi32, #tpu.memory_space<vmem>>)
    %barrier3A = arith.constant 0 : index
    tpu.barrier barrier_id(%barrier3A)
    "tpu.region"() ({
      %run_scoped3A = tpu.sem_alloc : memref<!tpu.dma_semaphore, #tpu.memory_space<semaphore_mem>>
      %dma_start3A_43 = arith.constant 0 : i32
      %dma_start3A_44 = tpu.memref_slice %arg14[%dma_start3A_43] : memref<10240xf32, #tpu.memory_space<vmem_shared>> -> memref<10240xf32, #tpu.memory_space<vmem_shared>>
      tpu.enqueue_indirect_dma source(%arg6 : memref<20000xf32, #tpu.memory_space<vmem>>) target(%dma_start3A_44 : memref<10240xf32, #tpu.memory_space<vmem_shared>>) offsets(%arg5 : memref<20000xi32, #tpu.memory_space<vmem>>) semaphore(%run_scoped3A : memref<!tpu.dma_semaphore, #tpu.memory_space<semaphore_mem>>) {add = true}
      %dma_wait3A_45 = arith.constant 0 : i32
      %dma_wait3A_46 = tpu.memref_slice %arg14[%dma_wait3A_45] : memref<10240xf32, #tpu.memory_space<vmem_shared>> -> memref<10240xf32, #tpu.memory_space<vmem_shared>>
      tpu.wait_indirect_dma semaphore(%run_scoped3A : memref<!tpu.dma_semaphore, #tpu.memory_space<semaphore_mem>>) src(%arg6 : memref<20000xf32, #tpu.memory_space<vmem>>) dst(%dma_wait3A_46 : memref<10240xf32, #tpu.memory_space<vmem_shared>>)
      tpu.yield
    }) : () -> ()
    %barrier3A_29 = arith.constant 0 : index
    tpu.barrier barrier_id(%barrier3A_29)
    "tpu.region"() ({
      %run_scoped3A = tpu.sem_alloc : memref<!tpu.dma_semaphore, #tpu.memory_space<semaphore_mem>>
      %dma_start3A_43 = tpu.memref_slice %arg14[%multiple_of3A] : memref<10240xf32, #tpu.memory_space<vmem_shared>> -> memref<640xf32, #tpu.memory_space<vmem_shared>>
      %dma_start3A_44 = tpu.memref_slice %arg14[%multiple_of3A] : memref<10240xf32, #tpu.memory_space<vmem_shared>> -> memref<640xf32, #tpu.memory_space<vmem_shared>>
      tpu.enqueue_dma source(%dma_start3A_44 : memref<640xf32, #tpu.memory_space<vmem_shared>>) target(%arg7 : memref<640xf32, #tpu.memory_space<vmem>>) target_semaphore(%run_scoped3A : memref<!tpu.dma_semaphore, #tpu.memory_space<semaphore_mem>>)
      %dma_wait3A_45 = tpu.memref_slice %arg14[%multiple_of3A] : memref<10240xf32, #tpu.memory_space<vmem_shared>> -> memref<640xf32, #tpu.memory_space<vmem_shared>>
      %dma_wait3A_46 = tpu.memref_slice %arg14[%multiple_of3A] : memref<10240xf32, #tpu.memory_space<vmem_shared>> -> memref<640xf32, #tpu.memory_space<vmem_shared>>
      tpu.wait_dma2 semaphore(%run_scoped3A : memref<!tpu.dma_semaphore, #tpu.memory_space<semaphore_mem>>) src(%dma_wait3A_46 : memref<640xf32, #tpu.memory_space<vmem_shared>>) dst(%arg7 : memref<640xf32, #tpu.memory_space<vmem>>)
      tpu.yield
    }) : () -> ()
    %dma_wait3A_30 = tpu.memref_slice %arg3[%multiple_of3A] : memref<10240xf32, #tpu.memory_space<hbm>> -> memref<640xf32, #tpu.memory_space<hbm>>
    %dma_wait3A_31 = tpu.memref_slice %arg3[%multiple_of3A] : memref<10240xf32, #tpu.memory_space<hbm>> -> memref<640xf32, #tpu.memory_space<hbm>>
    tpu.wait_dma2 semaphore(%arg20 : memref<!tpu.dma_semaphore, #tpu.memory_space<semaphore_mem>>) src(%dma_wait3A_31 : memref<640xf32, #tpu.memory_space<hbm>>) dst(%arg8 : memref<640xf32, #tpu.memory_space<vmem>>)
    %parallel_loop3A_32 = arith.constant 0 : i32
    %parallel_loop3A_33 = arith.constant 40 : i32
    %parallel_loop3A_34 = arith.constant 1 : i32
    scf.for %parallel_loop3A_43 = %parallel_loop3A_32 to %parallel_loop3A_33 step %parallel_loop3A_34  : i32 {
      %parallel_loop3A_44 = arith.constant 16 : i32
      %parallel_loop3A_45 = arith.muli %parallel_loop3A_43, %parallel_loop3A_44 : i32
      %parallel_loop3A_46 = arith.index_cast %parallel_loop3A_45 : i32 to index
      %parallel_loop3A_47 = tpu.vector_load %arg7[%parallel_loop3A_46] {strides = array<i32>} : memref<640xf32, #tpu.memory_space<vmem>>, vector<16xf32>,
      %parallel_loop3A_48 = vector.bitcast %parallel_loop3A_47 : vector<16xf32> to vector<16xi32>
      %parallel_loop3A_49 = arith.constant 1597463007 : i32
      %parallel_loop3A_50 = vector.broadcast %parallel_loop3A_49 : i32 to vector<16xi32>
      %parallel_loop3A_51 = arith.constant 1 : i32
      %parallel_loop3A_52 = vector.broadcast %parallel_loop3A_51 : i32 to vector<16xi32>
      %parallel_loop3A_53 = arith.shrui %parallel_loop3A_48, %parallel_loop3A_52 : vector<16xi32>
      %parallel_loop3A_54 = arith.subi %parallel_loop3A_50, %parallel_loop3A_53 : vector<16xi32>
      %parallel_loop3A_55 = vector.bitcast %parallel_loop3A_54 : vector<16xi32> to vector<16xf32>
      %parallel_loop3A_56 = arith.constant 5.000000e-01 : f32
      %parallel_loop3A_57 = vector.broadcast %parallel_loop3A_56 : f32 to vector<16xf32>
      %parallel_loop3A_58 = arith.mulf %parallel_loop3A_57, %parallel_loop3A_47 : vector<16xf32>
      %parallel_loop3A_59 = arith.mulf %parallel_loop3A_58, %parallel_loop3A_55 : vector<16xf32>
      %parallel_loop3A_60 = arith.mulf %parallel_loop3A_59, %parallel_loop3A_55 : vector<16xf32>
      %parallel_loop3A_61 = arith.constant 1.500000e+00 : f32
      %parallel_loop3A_62 = vector.broadcast %parallel_loop3A_61 : f32 to vector<16xf32>
      %parallel_loop3A_63 = arith.subf %parallel_loop3A_62, %parallel_loop3A_60 : vector<16xf32>
      %parallel_loop3A_64 = arith.mulf %parallel_loop3A_55, %parallel_loop3A_63 : vector<16xf32>
      %parallel_loop3A_65 = arith.mulf %parallel_loop3A_58, %parallel_loop3A_64 : vector<16xf32>
      %parallel_loop3A_66 = arith.mulf %parallel_loop3A_65, %parallel_loop3A_64 : vector<16xf32>
      %parallel_loop3A_67 = arith.constant 1.500000e+00 : f32
      %parallel_loop3A_68 = vector.broadcast %parallel_loop3A_67 : f32 to vector<16xf32>
      %parallel_loop3A_69 = arith.subf %parallel_loop3A_68, %parallel_loop3A_66 : vector<16xf32>
      %parallel_loop3A_70 = arith.mulf %parallel_loop3A_64, %parallel_loop3A_69 : vector<16xf32>
      %parallel_loop3A_71 = arith.mulf %parallel_loop3A_58, %parallel_loop3A_70 : vector<16xf32>
      %parallel_loop3A_72 = arith.mulf %parallel_loop3A_71, %parallel_loop3A_70 : vector<16xf32>
      %parallel_loop3A_73 = arith.constant 1.500000e+00 : f32
      %parallel_loop3A_74 = vector.broadcast %parallel_loop3A_73 : f32 to vector<16xf32>
      %parallel_loop3A_75 = arith.subf %parallel_loop3A_74, %parallel_loop3A_72 : vector<16xf32>
      %parallel_loop3A_76 = arith.mulf %parallel_loop3A_70, %parallel_loop3A_75 : vector<16xf32>
      %parallel_loop3A_77 = arith.constant 0.000000e+00 : f32
      %parallel_loop3A_78 = vector.broadcast %parallel_loop3A_77 : f32 to vector<16xf32>
      %parallel_loop3A_79 = arith.cmpf oeq, %parallel_loop3A_47, %parallel_loop3A_78 : vector<16xf32>
      %parallel_loop3A_80 = arith.constant 0.000000e+00 : f32
      %parallel_loop3A_81 = vector.broadcast %parallel_loop3A_80 : f32 to vector<16xf32>
      %parallel_loop3A_82 = arith.select %parallel_loop3A_79, %parallel_loop3A_81, %parallel_loop3A_76 : vector<16xi1>, vector<16xf32>
      %parallel_loop3A_83 = arith.index_cast %parallel_loop3A_45 : i32 to index
      %parallel_loop3A_84 = tpu.vector_load %arg7[%parallel_loop3A_83] {strides = array<i32>} : memref<640xf32, #tpu.memory_space<vmem>>, vector<16xf32>,
      tpu.vector_store %arg7[%parallel_loop3A_83], %parallel_loop3A_82 {strides = array<i32>} : memref<640xf32, #tpu.memory_space<vmem>>, vector<16xf32>,
      %parallel_loop3A_85 = arith.index_cast %parallel_loop3A_45 : i32 to index
      %parallel_loop3A_86 = tpu.vector_load %arg8[%parallel_loop3A_85] {strides = array<i32>} : memref<640xf32, #tpu.memory_space<vmem>>, vector<16xf32>,
      %parallel_loop3A_87 = arith.mulf %parallel_loop3A_82, %parallel_loop3A_86 : vector<16xf32>
      %parallel_loop3A_88 = arith.index_cast %parallel_loop3A_45 : i32 to index
      %parallel_loop3A_89 = tpu.vector_load %arg8[%parallel_loop3A_88] {strides = array<i32>} : memref<640xf32, #tpu.memory_space<vmem>>, vector<16xf32>,
      tpu.vector_store %arg8[%parallel_loop3A_88], %parallel_loop3A_87 {strides = array<i32>} : memref<640xf32, #tpu.memory_space<vmem>>, vector<16xf32>,
    } {sc.loop_unroll_factor = 4 : i64, sc.parallel_access}
    "tpu.region"() ({
      %run_scoped3A = tpu.sem_alloc : memref<!tpu.dma_semaphore, #tpu.memory_space<semaphore_mem>>
      %dma_start3A_43 = tpu.memref_slice %arg15[%multiple_of3A] : memref<10240xf32, #tpu.memory_space<vmem_shared>> -> memref<640xf32, #tpu.memory_space<vmem_shared>>
      %dma_start3A_44 = tpu.memref_slice %arg15[%multiple_of3A] : memref<10240xf32, #tpu.memory_space<vmem_shared>> -> memref<640xf32, #tpu.memory_space<vmem_shared>>
      tpu.enqueue_dma source(%arg8 : memref<640xf32, #tpu.memory_space<vmem>>) target(%dma_start3A_44 : memref<640xf32, #tpu.memory_space<vmem_shared>>) target_semaphore(%run_scoped3A : memref<!tpu.dma_semaphore, #tpu.memory_space<semaphore_mem>>)
      %dma_wait3A_45 = tpu.memref_slice %arg15[%multiple_of3A] : memref<10240xf32, #tpu.memory_space<vmem_shared>> -> memref<640xf32, #tpu.memory_space<vmem_shared>>
      %dma_wait3A_46 = tpu.memref_slice %arg15[%multiple_of3A] : memref<10240xf32, #tpu.memory_space<vmem_shared>> -> memref<640xf32, #tpu.memory_space<vmem_shared>>
      tpu.wait_dma2 semaphore(%run_scoped3A : memref<!tpu.dma_semaphore, #tpu.memory_space<semaphore_mem>>) src(%arg8 : memref<640xf32, #tpu.memory_space<vmem>>) dst(%dma_wait3A_46 : memref<640xf32, #tpu.memory_space<vmem_shared>>)
      tpu.yield
    }) : () -> ()
    "tpu.region"() ({
      %run_scoped3A = tpu.sem_alloc : memref<!tpu.dma_semaphore, #tpu.memory_space<semaphore_mem>>
      %dma_start3A_43 = tpu.memref_slice %arg16[%multiple_of3A] : memref<10240xf32, #tpu.memory_space<vmem_shared>> -> memref<640xf32, #tpu.memory_space<vmem_shared>>
      %dma_start3A_44 = tpu.memref_slice %arg16[%multiple_of3A] : memref<10240xf32, #tpu.memory_space<vmem_shared>> -> memref<640xf32, #tpu.memory_space<vmem_shared>>
      tpu.enqueue_dma source(%arg7 : memref<640xf32, #tpu.memory_space<vmem>>) target(%dma_start3A_44 : memref<640xf32, #tpu.memory_space<vmem_shared>>) target_semaphore(%run_scoped3A : memref<!tpu.dma_semaphore, #tpu.memory_space<semaphore_mem>>)
      %dma_wait3A_45 = tpu.memref_slice %arg16[%multiple_of3A] : memref<10240xf32, #tpu.memory_space<vmem_shared>> -> memref<640xf32, #tpu.memory_space<vmem_shared>>
      %dma_wait3A_46 = tpu.memref_slice %arg16[%multiple_of3A] : memref<10240xf32, #tpu.memory_space<vmem_shared>> -> memref<640xf32, #tpu.memory_space<vmem_shared>>
      tpu.wait_dma2 semaphore(%run_scoped3A : memref<!tpu.dma_semaphore, #tpu.memory_space<semaphore_mem>>) src(%arg7 : memref<640xf32, #tpu.memory_space<vmem>>) dst(%dma_wait3A_46 : memref<640xf32, #tpu.memory_space<vmem_shared>>)
      tpu.yield
    }) : () -> ()
    %barrier3A_35 = arith.constant 0 : index
    tpu.barrier barrier_id(%barrier3A_35)
    "tpu.region"() ({
      %run_scoped3A = tpu.sem_alloc : memref<!tpu.dma_semaphore, #tpu.memory_space<semaphore_mem>>
      tpu.enqueue_dma source(%arg15 : memref<10240xf32, #tpu.memory_space<vmem_shared>>) target(%arg9 : memref<10240xf32, #tpu.memory_space<vmem>>) target_semaphore(%run_scoped3A : memref<!tpu.dma_semaphore, #tpu.memory_space<semaphore_mem>>)
      tpu.wait_dma2 semaphore(%run_scoped3A : memref<!tpu.dma_semaphore, #tpu.memory_space<semaphore_mem>>) src(%arg15 : memref<10240xf32, #tpu.memory_space<vmem_shared>>) dst(%arg9 : memref<10240xf32, #tpu.memory_space<vmem>>)
      tpu.yield
    }) : () -> ()
    "tpu.region"() ({
      %run_scoped3A = tpu.sem_alloc : memref<!tpu.dma_semaphore, #tpu.memory_space<semaphore_mem>>
      tpu.enqueue_dma source(%arg16 : memref<10240xf32, #tpu.memory_space<vmem_shared>>) target(%arg10 : memref<10240xf32, #tpu.memory_space<vmem>>) target_semaphore(%run_scoped3A : memref<!tpu.dma_semaphore, #tpu.memory_space<semaphore_mem>>)
      tpu.wait_dma2 semaphore(%run_scoped3A : memref<!tpu.dma_semaphore, #tpu.memory_space<semaphore_mem>>) src(%arg16 : memref<10240xf32, #tpu.memory_space<vmem_shared>>) dst(%arg10 : memref<10240xf32, #tpu.memory_space<vmem>>)
      tpu.yield
    }) : () -> ()
    %dma_wait3A_36 = tpu.memref_slice %arg2[%multiple_of3A_5] : memref<640000xi32, #tpu.memory_space<hbm>> -> memref<10000xi32, #tpu.memory_space<hbm>>
    %dma_wait3A_37 = tpu.memref_slice %arg2[%multiple_of3A_5] : memref<640000xi32, #tpu.memory_space<hbm>> -> memref<10000xi32, #tpu.memory_space<hbm>>
    tpu.wait_dma2 semaphore(%arg18 : memref<!tpu.dma_semaphore, #tpu.memory_space<semaphore_mem>>) src(%dma_wait3A_37 : memref<10000xi32, #tpu.memory_space<hbm>>) dst(%arg11 : memref<10000xi32, #tpu.memory_space<vmem>>)
    %dma_wait3A_38 = tpu.memref_slice %arg2[%add3A_15] : memref<640000xi32, #tpu.memory_space<hbm>> -> memref<10000xi32, #tpu.memory_space<hbm>>
    %dma_wait3A_39 = tpu.memref_slice %arg2[%add3A_15] : memref<640000xi32, #tpu.memory_space<hbm>> -> memref<10000xi32, #tpu.memory_space<hbm>>
    tpu.wait_dma2 semaphore(%arg19 : memref<!tpu.dma_semaphore, #tpu.memory_space<semaphore_mem>>) src(%dma_wait3A_39 : memref<10000xi32, #tpu.memory_space<hbm>>) dst(%arg12 : memref<10000xi32, #tpu.memory_space<vmem>>)
    %parallel_loop3A_40 = arith.constant 0 : i32
    %parallel_loop3A_41 = arith.constant 625 : i32
    %parallel_loop3A_42 = arith.constant 1 : i32
    scf.for %parallel_loop3A_43 = %parallel_loop3A_40 to %parallel_loop3A_41 step %parallel_loop3A_42  : i32 {
      %parallel_loop3A_44 = arith.constant 16 : i32
      %parallel_loop3A_45 = arith.muli %parallel_loop3A_43, %parallel_loop3A_44 : i32
      %parallel_loop3A_46 = arith.index_cast %parallel_loop3A_45 : i32 to index
      %parallel_loop3A_47 = tpu.vector_load %arg11[%parallel_loop3A_46] {strides = array<i32>} : memref<10000xi32, #tpu.memory_space<vmem>>, vector<16xi32>,
      %parallel_loop3A_48 = tpu.vector_load_idx %arg9[%parallel_loop3A_47] : memref<10240xf32, #tpu.memory_space<vmem>>[vector<16xi32>], vector<16xf32>,
      %parallel_loop3A_49 = arith.index_cast %parallel_loop3A_45 : i32 to index
      %parallel_loop3A_50 = tpu.vector_load %arg12[%parallel_loop3A_49] {strides = array<i32>} : memref<10000xi32, #tpu.memory_space<vmem>>, vector<16xi32>,
      %parallel_loop3A_51 = tpu.vector_load_idx %arg10[%parallel_loop3A_50] : memref<10240xf32, #tpu.memory_space<vmem>>[vector<16xi32>], vector<16xf32>,
      %parallel_loop3A_52 = arith.mulf %parallel_loop3A_48, %parallel_loop3A_51 : vector<16xf32>
      %parallel_loop3A_53 = arith.index_cast %parallel_loop3A_45 : i32 to index
      %parallel_loop3A_54 = tpu.vector_load %arg13[%parallel_loop3A_53] {strides = array<i32>} : memref<10000xf32, #tpu.memory_space<vmem>>, vector<16xf32>,
      tpu.vector_store %arg13[%parallel_loop3A_53], %parallel_loop3A_52 {strides = array<i32>} : memref<10000xf32, #tpu.memory_space<vmem>>, vector<16xf32>,
    } {sc.loop_unroll_factor = 8 : i64, sc.parallel_access}
    "tpu.region"() ({
      %run_scoped3A = tpu.sem_alloc : memref<!tpu.dma_semaphore, #tpu.memory_space<semaphore_mem>>
      %dma_start3A_43 = tpu.memref_slice %arg4[%multiple_of3A_5] : memref<320000xf32, #tpu.memory_space<hbm>> -> memref<10000xf32, #tpu.memory_space<hbm>>
      %dma_start3A_44 = tpu.memref_slice %arg4[%multiple_of3A_5] : memref<320000xf32, #tpu.memory_space<hbm>> -> memref<10000xf32, #tpu.memory_space<hbm>>
      tpu.enqueue_dma source(%arg13 : memref<10000xf32, #tpu.memory_space<vmem>>) target(%dma_start3A_44 : memref<10000xf32, #tpu.memory_space<hbm>>) target_semaphore(%run_scoped3A : memref<!tpu.dma_semaphore, #tpu.memory_space<semaphore_mem>>)
      %dma_wait3A_45 = tpu.memref_slice %arg4[%multiple_of3A_5] : memref<320000xf32, #tpu.memory_space<hbm>> -> memref<10000xf32, #tpu.memory_space<hbm>>
      %dma_wait3A_46 = tpu.memref_slice %arg4[%multiple_of3A_5] : memref<320000xf32, #tpu.memory_space<hbm>> -> memref<10000xf32, #tpu.memory_space<hbm>>
      tpu.wait_dma2 semaphore(%run_scoped3A : memref<!tpu.dma_semaphore, #tpu.memory_space<semaphore_mem>>) src(%arg13 : memref<10000xf32, #tpu.memory_space<vmem>>) dst(%dma_wait3A_46 : memref<10000xf32, #tpu.memory_space<hbm>>)
      tpu.yield
    }) : () -> ()
    return
  }
}

module attributes {stable_mosaic.version = 14 : i64} {
  func.func @body(%arg0: i32, %arg1: memref<2048x128xf32, #tpu.memory_space<vmem>>, %arg2: memref<2048xf32, #tpu.memory_space<vmem>>) attributes {dimension_semantics = [#tpu.dimension_semantics<arbitrary>], iteration_bounds = array<i64: 5>, scalar_prefetch = 0 : i64, scratch_operands = 0 : i64, tpu.core_type = #tpu.core_type<tc>, window_params = [{transform_indices = @transform_0, window_bounds = array<i64: 2048, 128>}, {transform_indices = @transform_1, window_bounds = array<i64: 2048>}]} {
    %get3A = arith.constant 0 : index
    %get3A_0 = arith.constant 0 : index
    %get3A_1 = vector.load %arg1[%get3A, %get3A_0] : memref<2048x128xf32, #tpu.memory_space<vmem>>, vector<2048x128xf32>
    %reduce_sum3A = arith.constant dense<0.000000e+00> : vector<2048xf32>
    %reduce_sum3A_2 = vector.multi_reduction <add>, %get3A_1, %reduce_sum3A [1] : vector<2048x128xf32> to vector<2048xf32>
    %swap3A = arith.constant 0 : index
    %swap3A_3 = vector.load %arg2[%swap3A] : memref<2048xf32, #tpu.memory_space<vmem>>, vector<2048xf32>
    tpu.vector_store %arg2[%swap3A], %reduce_sum3A_2 {strides = array<i32>} : memref<2048xf32, #tpu.memory_space<vmem>>, vector<2048xf32>,
    return
  }
  func.func @transform_0(%arg0: i32) -> (i32, i32) {
    %c0_i32 = arith.constant 0 : i32
    %c0_i32_0 = arith.constant 0 : i32
    return %arg0, %c0_i32 : i32, i32
  }
  func.func @transform_1(%arg0: i32) -> i32 {
    %c0_i32 = arith.constant 0 : i32
    return %arg0 : i32
  }
}

</mosaic_0001>

<sc_bundles>
// kernel: kernel.4.cloned.1.call-start
scs
__scs_entry_jumppad:
0x0: {  	(pc) =	sbr.rel $0x88, $3  }
0x1: {  	(tag) =	ssettag $0x0;
	lr =	simm.s32 $0x1  }
0x2: {  	[smem:$0x3F9F] =	sst lr;
	_ =	strace $0xD0000000  }
0x3: {  	_ = 	snop  }
0x4: {  	_ = 	snop  }
0x5: {  	_ = 	snop  }
0x6: {  	_ = 	snop  }
0x7: {  	_ = 	snop  }
__scs_overlays_trampoline_lowered:
0x8: {  	[smem:$0x3FAE] =	sst s0  }
0x9: {  	[smem:$0x3FAF] =	sst s1  }
0xa: {  	[smem:$0x3FB0] =	sst s2  }
0xb: {  	[smem:$0x3FB1] =	sst s3  }
0xc: {  	[smem:$0x3FB2] =	sst s4  }
0xd: {  	[smem:$0x3FB3] =	sst s5  }
0xe: {  	[smem:$0x3FB4] =	sst s6  }
0xf: {  	[smem:$0x3FB5] =	sst s7  }
0x10: {  	[smem:$0x3FB6] =	sst s8  }
0x11: {  	[smem:$0x3FB7] =	sst s9;
	s0 =	simm.s32 @!p0 $0x0  }
0x12: {  	s1 =	sld [smem:$0x3F9D];
	s0 =	simm.s32 @p0 $0x1  }
0x13: {  	[smem:$0x3FB8] =	sst s0;
	s0 =	simm.s32 @!p1 $0x0  }
0x14: {  	s2 =	sld [smem:$0x3F9C];
	s0 =	simm.s32 @p1 $0x1  }
0x15: {  	[smem:$0x3FB9] =	sst s0;
	s0 =	simm.s32 @!p2 $0x0  }
0x16: {  	s3 =	sld [smem:$0x3FDB];
	s0 =	simm.s32 @p2 $0x1  }
0x17: {  	s4 =	simm.s32 $0x1BF5;
	[smem:$0x3FBB] =	sst s0  }
0x18: {  	s0 =	sld [smem:$0x3F9E];
	_ =	swait.ge [sflag:s4], $0x0  }
0x19: {  	s7 =	sld [smem:$0x3F9F]  }
0x1a: {  	s8 =	sadd.s32 $0xFFFFE003, lr  }
0x1b: {  	s9 =	sadd.s32 $0xFFFFFEF7, lr;
	s5 =	simm.s32 $0xFFFFFFFF;
	p2 =	slt.u32 s8, $0xFFFFF086  }
0x1c: {  	p1 =	slt.u32 s9, $0xF7A;
	s5 =	simm.s32 @!p2 $0x0  }
0x1d: {  	s5 =	simm.s32 @p1 $0x1;
	p0 =	seq.s32 s7, s2  }
0x1e: {  	s7 =	smul.u32 @!p0 $0xF7A, s2;
	p2 =	seq.s32 @!p0 s5, $0x0  }
0x1f: {  	s9 =	smul.u32 $0xF7A, s1;
	s8 =	simm.s32 @!p0 $0x1BF5;
	p2 =	por !p2, p0  }
0x20: {  	[sflag:s8] =	ssyncset.s32 @!p0 $0xFFFFF086;
	s6 =	sadd.s32 @!p0 s3, s7;
	s7 =	simm.s32 @!p0 $0x108  }
0x21: {  	s3 =	sadd.s32 s3, s9;
	s6 =	sadd.s32 @!p0 $0x88, s6;
	s7 =	simm.s32 @p2 $0x1082  }
0x22: {  	[simem:s7], [sflag:s8] =	dma.local @!p0 [hbm:s6], $0xF7A  }
0x23: {  	s9 =	sor.u32 $0xD0000000, s2;
	s6 =	simm.s32 $0x108;
	_ =	swait.ge @!p0 [sflag:s8], $0x0  }
0x24: {  	s3 =	sadd.s32 $0x88, s3;
	s6 =	simm.s32 @!p1 $0x1082;
	[sflag:s4] =	ssyncset.s32 $0xFFFFF086  }
0x25: {  	[simem:s6], [sflag:s4] =	dma.local [hbm:s3], $0xF7A  }
0x26: {  	[smem:$0x3F9F] =	sst s1;
	(tag) =	ssettag s2;
	_ =	strace s9  }
0x27: {  	s1 =	sld [smem:$0x3FAF]  }
0x28: {  	s2 =	sld [smem:$0x3FB0]  }
0x29: {  	s4 =	sld [smem:$0x3FB2]  }
0x2a: {  	p0 =	seq.s32 s5, $0x0;
	s5 =	sld [smem:$0x3FB3]  }
0x2b: {  	s6 =	sld [smem:$0x3FB4]  }
0x2c: {  	s7 =	sld [smem:$0x3FB5]  }
0x2d: {  	s3 =	simm.s32 $0x108;
	s8 =	sld [smem:$0x3FB6]  }
0x2e: {  	s3 =	simm.s32 @!p0 $0x1082;
	s9 =	sld [smem:$0x3FB7]  }
0x2f: {  	lr =	sadd.s32 s0, s3;
	s0 =	sld [smem:$0x3FAE]  }
0x30: {  	s3 =	sld [smem:$0x3FB1]  }
0x31: {  	[smem:$0x3FBA] =	sst s10  }
0x32: {  	s10 =	sld [smem:$0x3FB8];
	_ =	sdelay $0x3  }
0x33: {  	p0 =	seq.s32 s10, $0x1;
	s10 =	sld [smem:$0x3FBA];
	_ =	sdelay $0x3  }
0x34: {  	[smem:$0x3FBA] =	sst s10  }
0x35: {  	s10 =	sld [smem:$0x3FB9];
	_ =	sdelay $0x3  }
0x36: {  	p1 =	seq.s32 s10, $0x1;
	s10 =	sld [smem:$0x3FBA];
	_ =	sdelay $0x3  }
0x37: {  	[smem:$0x3FBA] =	sst s10  }
0x38: {  	s10 =	sld [smem:$0x3FBB]  }
0x39: {  	_ = 	snop;
	(pc) =	sbr.ind lr, $3  }
0x3a: {  	_ = 	snop  }
0x3b: {  	_ = 	snop  }
0x3c: {  	p2 =	seq.s32 s10, $0x1;
	s10 =	sld [smem:$0x3FBA]  }
0x3d: {  	_ =	shalt  }
0x3e: {  	_ =	shalt  }
0x3f: {  	_ =	shalt  }
0x40: {  	_ =	shalt  }
0x41: {  	_ =	shalt  }
0x42: {  	_ =	shalt  }
0x43: {  	_ =	shalt  }
0x44: {  	_ =	shalt  }
0x45: {  	_ =	shalt  }
0x46: {  	_ =	shalt  }
0x47: {  	_ =	shalt  }
0x48: {  	_ =	shalt  }
0x49: {  	_ =	shalt  }
0x4a: {  	_ =	shalt  }
0x4b: {  	_ =	shalt  }
0x4c: {  	_ =	shalt  }
0x4d: {  	_ =	shalt  }
0x4e: {  	_ =	shalt  }
0x4f: {  	_ =	shalt  }
0x50: {  	_ =	shalt  }
0x51: {  	_ =	shalt  }
0x52: {  	_ =	shalt  }
0x53: {  	_ =	shalt  }
0x54: {  	_ =	shalt  }
0x55: {  	_ =	shalt  }
0x56: {  	_ =	shalt  }
0x57: {  	_ =	shalt  }
0x58: {  	_ =	shalt  }
0x59: {  	_ =	shalt  }
0x5a: {  	_ =	shalt  }
0x5b: {  	_ =	shalt  }
0x5c: {  	_ =	shalt  }
0x5d: {  	_ =	shalt  }
0x5e: {  	_ =	shalt  }
0x5f: {  	_ =	shalt  }
0x60: {  	_ =	shalt  }
0x61: {  	_ =	shalt  }
0x62: {  	_ =	shalt  }
0x63: {  	_ =	shalt  }
0x64: {  	_ =	shalt  }
0x65: {  	_ =	shalt  }
0x66: {  	_ =	shalt  }
0x67: {  	_ =	shalt  }
0x68: {  	_ =	shalt  }
0x69: {  	_ =	shalt  }
0x6a: {  	_ =	shalt  }
0x6b: {  	_ =	shalt  }
0x6c: {  	_ =	shalt  }
0x6d: {  	_ =	shalt  }
0x6e: {  	_ =	shalt  }
0x6f: {  	_ =	shalt  }
0x70: {  	_ =	shalt  }
0x71: {  	_ =	shalt  }
0x72: {  	_ =	shalt  }
0x73: {  	_ =	shalt  }
0x74: {  	_ =	shalt  }
0x75: {  	_ =	shalt  }
0x76: {  	_ =	shalt  }
0x77: {  	_ =	shalt  }
0x78: {  	_ =	shalt  }
0x79: {  	_ =	shalt  }
0x7a: {  	_ =	shalt  }
0x7b: {  	_ =	shalt  }
0x7c: {  	_ =	shalt  }
0x7d: {  	_ =	shalt  }
0x7e: {  	_ =	shalt  }
0x7f: {  	_ =	shalt  }
0x80: {  	_ =	shalt  }
0x81: {  	_ =	shalt  }
0x82: {  	_ =	shalt  }
0x83: {  	_ =	shalt  }
0x84: {  	_ =	shalt  }
0x85: {  	_ =	shalt  }
0x86: {  	_ =	shalt  }
0x87: {  	_ =	shalt  }
.Lfunc_end0:
.L_simem_size_0:
called_computation_lowered:
.L_overlay_start_0:
0x88: {  	s2 =	sld [smem:$0x3FD9]  }
0x89: {  	s3 =	sld [smem:$0x3FFE];
	_ =	sdelay $0x1  }
0x8a: {  	s1 =	srdreg.scid  }
0x8b: {  	s0 =	sand.u32 $0x1, s1  }
0x8c: {  	s17 =	sshll.u32 s0, $0xA;
	s2 =	sadd.s32 s3, s2  }
0x8d: {  	s2 =	sadd.s32 s2, s17  }
0x8e: {  	[smem:$0x3FC6] =	sst s2  }
0x8f: {  	_ = 	snop  }
0x90: {  	s2 =	sld [smem:$0x3FD0];
	(tm) =	ssettm $0x1  }
0x91: {  	s18 =	sld [smem:$0x3FFB];
	_ =	sdelay $0x3  }
0x92: {  	_ =	strace s18  }
0x93: {  	s3 =	sld [smem:$0x3FFC];
	_ =	sdelay $0x3  }
0x94: {  	_ =	strace s3  }
0x95: {  	s3 =	sld [smem:$0x3FFD];
	_ =	sdelay $0x3  }
0x96: {  	_ =	strace s3  }
0x97: {  	_ =	strace $0x8FFFFFFF  }
0x98: {  	s19 =	sld [smem:$0x3FDB];
	_ =	sdelay $0x1  }
0x99: {  	s4 =	simm.s32 $_scs_section_size  }
0x9a: {  	s5 =	simm.s32 $_size__tile_overlayer_lowered;
	s6 =	simm.s32 $_tile_overlayer_lowered  }
0x9b: {  	s22 =	simm.s32 $0x1BFF;
	s21 =	sshll.u32 s6, $0x1;
	s3 =	sadd.s32 s4, s19  }
0x9c: {  	s7 =	simm.s32 $0x0;
	s20 =	sshll.u32 s5, $0x1;
	s5 =	sadd.s32 s21, s3  }
0x9d: {  	[timem:s7], [sflag:s22] =	dma.local [hbm:s5], s20  }
0x9e: {  	_ =	swait.ge [sflag:s22], s20  }
0x9f: {  	s4 =	ssub.s32 $0x0, s20;
	[sflag:s22] =	ssyncset.done $0x0  }
0xa0: {  	[sflag:s22] =	ssyncadd.s32 s4;
	_ =	sdelay $0x1  }
0xa1: {  	s23 =	simm.s32 $0x1B8B  }
0xa2: {  	_ =	swait.ge [sflag:s23], $0x1  }
0xa3: {  	[sflag:s23] =	ssyncset.done $0x0  }
0xa4: {  	s25 =	simm.s32 $0x1B8E;
	s24 =	sld [smem:$0x3FFE];
	[sflag:s23] =	ssyncadd.s32 $0xFFFFFFFF  }
0xa5: {  	s26 =	simm.s32 $execute0_lowered;
	[smem:$0x3FD2] =	sst s25  }
0xa6: {  	s5 =	sshll.u32 s26, $0x1;
	_ =	strace $0x80000046;
	[dreg:$0x1] =	wrdreg $0xFFFFFFFF  }
0xa7: {  	s28 =	simm.s32 $_size_execute0_lowered;
	s3 =	sadd.s32 s3, s5;
	[dreg:$0x0] =	wrdreg $0x0  }
0xa8: {  	s5 =	sshll.u32 s28, $0x1;
	[dreg:$0x2] =	wrdreg s3  }
0xa9: {  	[dreg:$0x3] =	wrdreg s5  }
0xaa: {  	[dreg:$0x4] =	wrdreg $0xC0  }
0xab: {  	_ =	task [dreg:s7], $0x5FFFF  }
0xac: {  	[dreg:$0x1] =	wrdreg $0xFFFFFFFF  }
0xad: {  	[dreg:$0x0] =	wrdreg $0x60  }
0xae: {  	[dreg:$0x2] =	wrdreg s24  }
0xaf: {  	[dreg:$0x3] =	wrdreg s2  }
0xb0: {  	[dreg:$0x4] =	wrdreg $0x168800  }
0xb1: {  	[dreg:$0x5] =	wrdreg $0x16B000  }
0xb2: {  	[dreg:$0x6] =	wrdreg $0x16D800  }
0xb3: {  	[dreg:$0x7] =	wrdreg $0x9  }
0xb4: {  	_ =	task.clear_ibuf [dreg:s7], $0x8FFFF;
	_ =	strace $0x90000046  }
0xb5: {  	s29 =	simm.s32 $0x9;
	_ =	strace $0x80000048  }
0xb6: {  	_ =	swait.ge [sflag:s29], $0x1  }
0xb7: {  	[sflag:s29] =	ssyncadd.s32 $0xFFFFFFFF  }
0xb8: {  	_ =	strace $0x90000048  }
0xb9: {  	_ =	sfence  }
0xba: {  	s30 =	sld [smem:$0x0];
	_ =	sdelay $0x2  }
0xbb: {  	s31 =	sshll.u32 s1, $0xD;
	s1 =	sshrl.u32 s1, $0x2  }
0xbc: {  	s3 =	sand.u32 $0x4000, s31;
	s1 =	sadd.s32 s1, s30  }
0xbd: {  	s0 =	sor.u32 s3, s0;
	s1 =	sshll.u32 s1, $0x11  }
0xbe: {  	s0 =	sor.u32 s1, s0  }
0xbf: {  	s0 =	sadd.s32 $0x8F2B, s0  }
0xc0: {  	[sflag:s0] =	ssyncadd.remote.s32 $0x1  }
0xc1: {  	_ =	sfence.sel $0xFFFF  }
0xc2: {  	[dreg:$0x0] =	wrdreg $0xFFFFFFFF;
	(pc) =	sbr.abs _section_cstart, $3  }
0xc3: {  	[dreg:$0x1] =	wrdreg $0xFFFFFFFF  }
0xc4: {  	_ =	task.clear_ibuf [dreg:s7], $0x2FFFF;
	_ =	strace $0x9FFFFFFF  }
0xc5: {  	(tm) =	ssettm $0x7FFFFFFF  }
tec
execute0_lowered:
.L_overlay_start_1:
0x0: {  	(tag) =	ssettag $0x1  }
0x1: {  	s0 =	rddreg [dreg:$0x0]  }
0x2: {  	s1 =	rddreg [dreg:$0x1]  }
0x3: {  	s10 =	rddreg [dreg:$0x2]  }
0x4: {  	s2 =	srdreg.scid;
	s11 =	rddreg [dreg:$0x3]  }
0x5: {  	s7 =	stileid.u32;
	s12 =	rddreg [dreg:$0x4];
	s5 =	simm.s32 $0x0  }
0x6: {  	s17 =	simm.s32 $0x9F80;
	s18 =	simm.s32 $0x9D00;
	s19 =	simm.s32 $0x5  }
0x7: {  	s20 =	simm.s32 $0x1;
	s21 =	simm.s32 $0x4E20;
	s22 =	simm.s32 $0x4E80  }
0x8: {  	s23 =	simm.s32 $0x4;
	s24 =	simm.s32 $0xA200;
	s25 =	simm.s32 $0xCA00  }
0x9: {  	s28 =	simm.s32 $0x3;
	s29 =	simm.s32 $0x14100;
	s30 =	simm.s32 $0x0  }
0xa: {  	s2 =	sand.u32 $0x1, s2;
	s4 =	smul.u32 $0x280, s7;
	[smem:$0x7FF] =	sst s5  }
0xb: {  	s8 =	sadd.s32 $0x1000, s0;
	s3 =	sshll.u32 s2, $0x4;
	_ =	strace $0x80000047  }
0xc: {  	s2 =	ssub.s32 $0x2, s2;
	s3 =	sor.u32 s7, s3;
	s6 =	sshrl.u32 s4, $0x3  }
0xd: {  	s7 =	smul.u32 $0x4E20, s7;
	s31 =	sshrl.u32 s2, $0x1;
	s10 =	sadd.s32 s4, s10  }
0xe: {  	s11 =	sadd.s32 s4, s11;
	s12 =	sadd.s32 s4, s12;
	s3 =	smul.u32 $0x2710, s3  }
0xf: {  	s0 =	sadd.s32 s6, s0;
	s2 =	ssub.s32 s2, s31;
	s26 =	sshrl.u32 s7, $0x3  }
0x10: {  	s14 =	smax.u32 s2, $0x1;
	s3 =	sshrl.u32 s3, $0x3;
	s9 =	sadd.s32 s8, s26  }
0x11: {  	s26 =	simm.s32 $0x2;
	s6 =	sadd.s32 s8, s3;
	s7 =	sadd.s32 $0x9C40, s9  }
0x12: {  	v0 =	vimm.f32 $0.0e+00;
	v1 =	vimm.f32 $1.000000000e+00;
	s9 =	sadd.s32 $0xA00, s0;
	s13 =	sadd.s32 s1, s3;
	s8 =	sadd.s32 $0x9C40, s6  }
.LBB2_1:
0x13: {  	[tilespmem:s5], [sflag:$0x1] =	stream.linear.gather [hbm4b:s7+s5], $0x4E20, $0x38;
	[tilespmem:$0x17000] =	vst v63  }
0x14: {  	s0 =	simm.s32 $0xF200  }
0x15: {  	[tilespmem:s0], [sflag:$0x2] =	stream.linear.gather [hbm4b:s6+s5], $0x2710, $0x38;
	[tilespmem:$0x17000] =	vst v63  }
0x16: {  	s31 =	simm.s32 $0x11980  }
0x17: {  	[tilespmem:s31], [sflag:$0x3] =	stream.linear.gather [hbm4b:s8+s5], $0x2710, $0x38;
	[tilespmem:$0x17000] =	vst v63  }
0x18: {  	s0 =	simm.s32 $0x9D40  }
0x19: {  	[tilespmem:s17], [sflag:$0x4] =	stream.linear.gather [hbm4b:s9+s5], $0x280, $0x38;
	[tilespmem:$0x17000] =	vst v63  }
0x1a: {  	[tilespmem:s0+$0xFFFFFFC0] =	vst v0  }
0x1b: {  	[tilespmem:s0+$0x30] =	vst v0  }
0x1c: {  	[tilespmem:s0+$0x20] =	vst v0  }
0x1d: {  	[tilespmem:s0+$0x10] =	vst v0  }
0x1e: {  	[tilespmem:s0+$0x0] =	vst v0  }
0x1f: {  	[tilespmem:s0+$0xFFFFFFF0] =	vst v0  }
0x20: {  	s1 =	simm.s32 $0x0;
	[tilespmem:s0+$0xFFFFFFE0] =	vst v0  }
.LBB2_2:
0x21: {  	s1 =	sadd.s32 $0x8, s1;
	[tilespmem:s0+$0xFFFFFFD0] =	vst v0;
	s0 =	sadd.s32 $0x80, s0  }
0x22: {  	[tilespmem:s0+$0xFFFFFFC0] =	vst v0;
	p0 =	slt.u32 s1, $0x20  }
0x23: {  	[tilespmem:s0+$0x30] =	vst v0  }
.Ltmp0:
0x24: {  	[tilespmem:s0+$0x20] =	vst v0;
	(pc) =	sbr.rel @p0 .LBB2_2-.Ltmp0, $4  }
0x25: {  	[tilespmem:s0+$0x10] =	vst v0  }
0x26: {  	[tilespmem:s0+$0x0] =	vst v0  }
0x27: {  	[tilespmem:s0+$0xFFFFFFF0] =	vst v0  }
0x28: {  	[tilespmem:s0+$0xFFFFFFE0] =	vst v0  }
0x29: {  	[tilespmem:s0+$0xFFFFFFD0] =	vst v0  }
0x2a: {  	[spmem:s10] =	stream.linear.scatter [tilespmem:s18], [sflag:$0x5], $0x280, $0x38;
	[tilespmem:$0x17000] =	vst v63  }
0x2b: {  	_ =	swait.ge [sflag:s19], $0x280  }
0x2c: {  	[sflag:s19] =	ssyncset.done $0x0  }
0x2d: {  	s0 =	simm.s32 $0x4EC0;
	[sflag:s19] =	ssyncadd.s32 $0xFFFFFD80  }
0x2e: {  	[tilespmem:s0+$0xFFFFFFC0] =	vst v1  }
0x2f: {  	[tilespmem:s0+$0x30] =	vst v1  }
0x30: {  	[tilespmem:s0+$0x20] =	vst v1  }
0x31: {  	[tilespmem:s0+$0x10] =	vst v1  }
0x32: {  	[tilespmem:s0+$0x0] =	vst v1  }
0x33: {  	[tilespmem:s0+$0xFFFFFFF0] =	vst v1  }
0x34: {  	s1 =	simm.s32 $0x0;
	[tilespmem:s0+$0xFFFFFFE0] =	vst v1  }
.LBB2_4:
0x35: {  	s1 =	sadd.s32 $0x8, s1;
	[tilespmem:s0+$0xFFFFFFD0] =	vst v1;
	s0 =	sadd.s32 $0x80, s0  }
0x36: {  	[tilespmem:s0+$0xFFFFFFC0] =	vst v1;
	p0 =	slt.u32 s1, $0x4D8  }
0x37: {  	[tilespmem:s0+$0x30] =	vst v1  }
.Ltmp1:
0x38: {  	[tilespmem:s0+$0x20] =	vst v1;
	(pc) =	sbr.rel @p0 .LBB2_4-.Ltmp1, $4  }
0x39: {  	[tilespmem:s0+$0x10] =	vst v1  }
0x3a: {  	[tilespmem:s0+$0x0] =	vst v1  }
0x3b: {  	[tilespmem:s0+$0xFFFFFFF0] =	vst v1  }
0x3c: {  	[tilespmem:s0+$0xFFFFFFE0] =	vst v1  }
0x3d: {  	[tilespmem:s0+$0xFFFFFFD0] =	vst v1;
	s0 =	simm.s32 $0x0  }
.LBB2_6:
0x3e: {  	p0 =	sne.s32 s0, $0x40  }
.Ltmp2:
0x3f: {  	_ = 	snop;
	(pc) =	sbr.rel @p0 .LBB2_6-.Ltmp2, $3  }
0x40: {  	_ =	sdelay $0x1  }
0x41: {  	s1 =	sshra.s32 s0, $0x2  }
0x42: {  	s0 =	sadd.s32 $0x40, s0;
	[tilespmem:s1+$0x9C80] =	vst v1  }
0x43: {  	_ =	swait.ge [sflag:s20], $0x4E20  }
0x44: {  	[sflag:s20] =	ssyncset.done $0x0  }
0x45: {  	[sflag:s20] =	ssyncadd.s32 $0xFFFFB1E0  }
0x46: {  	[bflag:$0x0] =	sbarrier.arrive $0xFFFF  }
0x47: {  	s0 =	rddreg [dreg:$0x2]  }
0x48: {  	[spmem:s0] =	stream.indirect.scatter.add.f32 [tilespmem:s22], [sflag:$0x5], $0x1, s5, s21, $0xb8;
	[tilespmem:$0x17000] =	vst v63  }
0x49: {  	_ =	swait.ge [sflag:s19], $0x4E20  }
0x4a: {  	[sflag:s19] =	ssyncset.done $0x0  }
0x4b: {  	[sflag:s19] =	ssyncadd.s32 $0xFFFFB1E0  }
0x4c: {  	[bflag:$0x0] =	sbarrier.arrive $0xFFFF  }
0x4d: {  	[tilespmem:s18], [sflag:$0x5] =	stream.linear.gather [spmem:s10], $0x280, $0x38;
	[tilespmem:$0x17000] =	vst v63  }
0x4e: {  	_ =	swait.ge [sflag:s19], $0x280  }
0x4f: {  	[sflag:s19] =	ssyncset.done $0x0  }
0x50: {  	[sflag:s19] =	ssyncadd.s32 $0xFFFFFD80  }
0x51: {  	_ =	swait.ge [sflag:s23], $0x280  }
0x52: {  	[sflag:s23] =	ssyncset.done $0x0  }
0x53: {  	s2 =	simm.s32 $0x9D20;
	[sflag:s23] =	ssyncadd.s32 $0xFFFFFD80  }
0x54: {  	v6 =	vld [tilespmem:s2+$0x10];
	_ =	sdelay $0x4  }
0x55: {  	v2 =	vshrl.u32 v6, $0x1;
	v3 =	vmul.f32 $5.000000000e-01, v6  }
0x56: {  	v2 =	vsub.s32 $0x5F3759DF, v2  }
0x57: {  	v4 =	vmul.f32 v2, v3;
	_ =	sdelay $0x1  }
0x58: {  	v15 =	vld [tilespmem:s2+$0x0];
	v4 =	vmul.f32 v2, v4;
	_ =	sdelay $0x1  }
0x59: {  	v17 =	vld [tilespmem:s2+$0xFFFFFFF0];
	v4 =	vsub.f32 $1.500000000e+00, v4  }
0x5a: {  	v20 =	vld [tilespmem:s2+$0xFFFFFFE0]  }
0x5b: {  	v2 =	vmul.f32 v2, v4  }
0x5c: {  	v7 =	vmul.f32 $5.000000000e-01, v15;
	v4 =	vshrl.u32 v15, $0x1  }
0x5d: {  	v5 =	vsub.s32 $0x5F3759DF, v4;
	v4 =	vmul.f32 v2, v3  }
0x5e: {  	v8 =	vshrl.u32 v17, $0x1;
	v10 =	vmul.f32 $5.000000000e-01, v17;
	v9 =	vmul.f32 v5, v7  }
0x5f: {  	s31 =	simm.s32 $0x9D60;
	v12 =	vmul.f32 $5.000000000e-01, v20;
	v8 =	vsub.s32 $0x5F3759DF, v8;
	v11 =	vmul.f32 v4, v2  }
0x60: {  	v13 =	vshrl.u32 v20, $0x1;
	v14 =	vmul.f32 v8, v10;
	v9 =	vmul.f32 v5, v9;
	v4 =	vld [tilespmem:s31+$0x10]  }
0x61: {  	v13 =	vsub.s32 $0x5F3759DF, v13;
	v11 =	vsub.f32 $1.500000000e+00, v11  }
0x62: {  	v16 =	vmul.f32 v13, v12;
	v14 =	vmul.f32 v8, v14;
	v9 =	vsub.f32 $1.500000000e+00, v9  }
0x63: {  	v18 =	vmul.f32 v11, v2  }
0x64: {  	v2 =	vsub.f32 $1.500000000e+00, v14;
	v14 =	vmul.f32 v5, v9;
	v5 =	vmul.f32 v13, v16  }
0x65: {  	v16 =	vmul.f32 $5.000000000e-01, v4;
	v9 =	vmul.f32 v18, v3  }
0x66: {  	v11 =	vshrl.u32 v4, $0x1;
	v8 =	vmul.f32 v8, v2;
	v19 =	vmul.f32 v14, v7  }
0x67: {  	v3 =	vld [tilespmem:s31+$0x0];
	v21 =	vsub.s32 $0x5F3759DF, v11;
	v11 =	vsub.f32 $1.500000000e+00, v5;
	v22 =	vmul.f32 v9, v18  }
0x68: {  	v2 =	vld [tilespmem:s31+$0xFFFFFFF0];
	v9 =	vmul.f32 v21, v16;
	v19 =	vmul.f32 v19, v14  }
0x69: {  	v5 =	vld [tilespmem:s31+$0xFFFFFFE0];
	v23 =	vmul.f32 v8, v10;
	v13 =	vmul.f32 v13, v11  }
0x6a: {  	v9 =	vmul.f32 v21, v9  }
0x6b: {  	v19 =	vsub.f32 $1.500000000e+00, v19;
	v23 =	vmul.f32 v23, v8;
	v27 =	vmul.f32 v13, v12  }
0x6c: {  	v22 =	vsub.f32 $1.500000000e+00, v22;
	v11 =	vshrl.u32 v3, $0x1;
	v25 =	vmul.f32 $5.000000000e-01, v3  }
0x6d: {  	v28 =	vshrl.u32 v2, $0x1;
	v24 =	vsub.s32 $0x5F3759DF, v11;
	v26 =	vsub.f32 $1.500000000e+00, v9  }
0x6e: {  	v11 =	vmul.f32 $5.000000000e-01, v2;
	v9 =	vmul.f32 $5.000000000e-01, v5;
	v28 =	vsub.s32 $0x5F3759DF, v28  }
0x6f: {  	v14 =	vmul.f32 v19, v14;
	v23 =	vsub.f32 $1.500000000e+00, v23;
	v18 =	vmul.f32 v22, v18  }
0x70: {  	v21 =	vmul.f32 v21, v26;
	v29 =	vmul.f32 v28, v11  }
0x71: {  	v26 =	vmul.f32 v24, v25;
	v23 =	vmul.f32 v23, v8  }
0x72: {  	v19 =	vmul.f32 v21, v16;
	v22 =	vmul.f32 v28, v29  }
0x73: {  	v30 =	vshrl.u32 v5, $0x1;
	v7 =	vmul.f32 v14, v7;
	v26 =	vmul.f32 v24, v26  }
0x74: {  	v29 =	vsub.s32 $0x5F3759DF, v30;
	v19 =	vmul.f32 v19, v21;
	v8 =	vsub.f32 $1.500000000e+00, v22  }
0x75: {  	v7 =	vmul.f32 v7, v14;
	v22 =	vsub.f32 $1.500000000e+00, v26;
	v26 =	vmul.f32 v29, v9  }
0x76: {  	v27 =	vmul.f32 v27, v13;
	v19 =	vsub.f32 $1.500000000e+00, v19;
	v28 =	vmul.f32 v28, v8  }
0x77: {  	v22 =	vmul.f32 v24, v22;
	v8 =	vmul.f32 v29, v26;
	v26 =	vsub.f32 $1.500000000e+00, v7  }
0x78: {  	s0 =	simm.s32 $0x9DA0;
	v24 =	vmul.f32 v19, v21;
	v19 =	vmul.f32 v23, v10  }
0x79: {  	v21 =	vsub.f32 $1.500000000e+00, v27;
	v10 =	vld [tilespmem:s0+$0x10];
	v27 =	vmul.f32 v22, v25;
	v26 =	vmul.f32 v26, v14  }
0x7a: {  	v8 =	vsub.f32 $1.500000000e+00, v8;
	v16 =	vmul.f32 v24, v16;
	v30 =	vmul.f32 v19, v23  }
0x7b: {  	vm0 =	veq.f32 v6, $0.0e+00;
	v6 =	vld [tilespmem:s0+$0xFFFFFFE0];
	v31 =	vmul.f32 v21, v13;
	v13 =	vmul.f32 v27, v22  }
0x7c: {  	vm1 =	veq.f32 v15, $0.0e+00;
	v7 =	vld [tilespmem:s0+$0x0];
	v19 =	vmul.f32 v28, v11;
	v14 =	vmul.f32 v29, v8  }
0x7d: {  	v27 =	vsel vm0, $0x0, v18;
	v16 =	vmul.f32 v16, v24;
	v12 =	vmul.f32 v31, v12  }
0x7e: {  	v8 =	vld [tilespmem:s0+$0xFFFFFFF0];
	v21 =	vsub.f32 $1.500000000e+00, v13;
	v13 =	vshrl.u32 v10, $0x1;
	v18 =	vmul.f32 $5.000000000e-01, v10  }
0x7f: {  	v33 =	vmul.f32 v19, v28;
	v37 =	vmul.f32 v14, v9;
	v29 =	vsub.s32 $0x5F3759DF, v13  }
0x80: {  	v30 =	vsub.f32 $1.500000000e+00, v30;
	v32 =	vsub.f32 $1.500000000e+00, v16;
	v19 =	vmul.f32 v29, v18  }
0x81: {  	s1 =	simm.s32 $0x9FA0;
	[tilespmem:s2+$0x10] =	vst v27;
	v34 =	vmul.f32 v12, v31;
	v13 =	vshrl.u32 v6, $0x1;
	v12 =	vshrl.u32 v7, $0x1  }
0x82: {  	v35 =	vld [tilespmem:s1+$0x10];
	v30 =	vmul.f32 v30, v23;
	v36 =	vsub.s32 $0x5F3759DF, v12;
	v38 =	vmul.f32 v29, v19  }
0x83: {  	v12 =	vmul.f32 $5.000000000e-01, v7;
	v16 =	vsub.s32 $0x5F3759DF, v13;
	v39 =	vshrl.u32 v8, $0x1  }
0x84: {  	v19 =	vmul.f32 v21, v22;
	v21 =	vmul.f32 $5.000000000e-01, v8;
	v22 =	vsub.f32 $1.500000000e+00, v38  }
0x85: {  	v13 =	vmul.f32 $5.000000000e-01, v6;
	v39 =	vsub.s32 $0x5F3759DF, v39;
	v40 =	vmul.f32 v36, v12  }
0x86: {  	vm0 =	veq.f32 v20, $0.0e+00;
	v23 =	vmul.f32 v39, v21;
	v61 =	vmul.f32 v29, v22  }
0x87: {  	v62 =	vsub.f32 $1.500000000e+00, v34;
	v20 =	vmul.f32 v27, v35;
	v22 =	vmul.f32 v32, v24  }
0x88: {  	v27 =	vsub.f32 $1.500000000e+00, v33;
	v23 =	vmul.f32 v39, v23;
	v15 =	vmul.f32 v61, v18  }
0x89: {  	v29 =	vmul.f32 v36, v40;
	v24 =	vsel vm1, $0x0, v26;
	v26 =	vmul.f32 v37, v14  }
0x8a: {  	vm1 =	veq.f32 v17, $0.0e+00;
	[tilespmem:s2+$0x0] =	vst v24;
	v17 =	vsub.f32 $1.500000000e+00, v23;
	v63 =	vmul.f32 v15, v61  }
0x8b: {  	v23 =	vsub.f32 $1.500000000e+00, v29;
	v29 =	vmul.f32 v16, v13;
	v15 =	vmul.f32 v27, v28;
	v28 =	vld [tilespmem:s1+$0x0]  }
0x8c: {  	[tilespmem:s1+$0x10] =	vst v20;
	v27 =	vmul.f32 v62, v31;
	v31 =	vmul.f32 v19, v25;
	v20 =	vsub.f32 $1.500000000e+00, v63  }
0x8d: {  	s15 =	simm.s32 $0x8;
	v17 =	vmul.f32 v39, v17;
	v23 =	vmul.f32 v36, v23;
	v25 =	vsel vm1, $0x0, v30  }
0x8e: {  	s4 =	simm.s32 $0x9FE0;
	s16 =	simm.s32 $0x9DE0;
	s3 =	simm.s32 $0x9FE0;
	v26 =	vsub.f32 $1.500000000e+00, v26;
	[tilespmem:s2+$0xFFFFFFF0] =	vst v25;
	v30 =	vmul.f32 v31, v19;
	v20 =	vmul.f32 v20, v61  }
.LBB2_8:
0x8f: {  	s15 =	sadd.s32 $0x4, s15;
	v29 =	vmul.f32 v16, v29;
	v31 =	vmul.f32 v15, v11;
	s4 =	sadd.s32 $0x40, s4;
	v27 =	vsel vm0, $0x0, v27;
	v32 =	vld [tilespmem:s1+$0xFFFFFFF0];
	v11 =	vmovc v21  }
0x90: {  	v21 =	vld [tilespmem:s16+$0x10];
	p0 =	slt.u32 s15, $0x24;
	v18 =	vmul.f32 v20, v18;
	v30 =	vsub.f32 $1.500000000e+00, v30;
	[tilespmem:s2+$0xFFFFFFE0] =	vst v27;
	v24 =	vmul.f32 v24, v28;
	s2 =	smov.u32 s31;
	s31 =	smov.u32 s0  }
0x91: {  	s0 =	smov.u32 s16;
	v28 =	vsub.f32 $1.500000000e+00, v29;
	v29 =	vmul.f32 v23, v12;
	v31 =	vmul.f32 v31, v15;
	v33 =	vld [tilespmem:s1+$0xFFFFFFE0]  }
0x92: {  	vm0 =	veq.f32 v4, $0.0e+00;
	v4 =	vmovc v10;
	v26 =	vmul.f32 v26, v14;
	v34 =	vld [tilespmem:s16+$0x0];
	v18 =	vmul.f32 v18, v20;
	[tilespmem:s1+$0x0] =	vst v24  }
0x93: {  	v22 =	vsel vm0, $0x0, v22;
	v24 =	vld [tilespmem:s16+$0xFFFFFFE0];
	v35 =	vmul.f32 v29, v23;
	v29 =	vmul.f32 v30, v19  }
0x94: {  	v19 =	vmul.f32 v17, v11;
	v30 =	vsub.f32 $1.500000000e+00, v18;
	[tilespmem:s2+$0x10] =	vst v22;
	v25 =	vmul.f32 v25, v32  }
0x95: {  	v14 =	vmul.f32 v16, v28;
	v16 =	vmul.f32 v26, v9;
	v9 =	vmovc v13;
	v32 =	vld [tilespmem:s16+$0xFFFFFFF0];
	v28 =	vsub.f32 $1.500000000e+00, v35;
	v10 =	vmovc v21  }
0x96: {  	v13 =	vshrl.u32 v10, $0x1;
	v18 =	vmul.f32 $5.000000000e-01, v10;
	v21 =	vmul.f32 v27, v33;
	[tilespmem:s1+$0xFFFFFFF0] =	vst v25  }
0x97: {  	v27 =	vmul.f32 v19, v17;
	v33 =	vmul.f32 v16, v26;
	v25 =	vsub.s32 $0x5F3759DF, v13  }
0x98: {  	v16 =	vshrl.u32 v34, $0x1;
	v13 =	vshrl.u32 v24, $0x1;
	v19 =	vmul.f32 v25, v18;
	v35 =	vld [tilespmem:s3+$0x10];
	[tilespmem:s1+$0xFFFFFFE0] =	vst v21;
	s1 =	smov.u32 s3;
	s3 =	smov.u32 s4  }
0x99: {  	v38 =	vmul.f32 v14, v9;
	v37 =	vmul.f32 $5.000000000e-01, v34;
	v36 =	vsub.s32 $0x5F3759DF, v16  }
0x9a: {  	v16 =	vsub.s32 $0x5F3759DF, v13;
	v13 =	vmul.f32 $5.000000000e-01, v24;
	v21 =	vmul.f32 v25, v19  }
0x9b: {  	v40 =	vmul.f32 v36, v37;
	v39 =	vshrl.u32 v32, $0x1;
	v19 =	vmul.f32 v28, v23  }
0x9c: {  	v31 =	vsub.f32 $1.500000000e+00, v31;
	v23 =	vsub.s32 $0x5F3759DF, v39;
	v28 =	vsub.f32 $1.500000000e+00, v21  }
0x9d: {  	vm0 =	veq.f32 v5, $0.0e+00;
	v5 =	vmovc v6;
	v6 =	vmovc v24;
	v21 =	vmul.f32 $5.000000000e-01, v32;
	v35 =	vmul.f32 v22, v35  }
0x9e: {  	v31 =	vmul.f32 v31, v15;
	v39 =	vmul.f32 v25, v28;
	v25 =	vsub.f32 $1.500000000e+00, v27  }
0x9f: {  	vm1 =	veq.f32 v3, $0.0e+00;
	v3 =	vmovc v7;
	v22 =	vmul.f32 v30, v20;
	v15 =	vmul.f32 v23, v21;
	[tilespmem:s1+$0x10] =	vst v35  }
0xa0: {  	v7 =	vmovc v34;
	v24 =	vsel vm1, $0x0, v29;
	v20 =	vmul.f32 v36, v40;
	v27 =	vmul.f32 v39, v18  }
0xa1: {  	v29 =	vsub.f32 $1.500000000e+00, v33;
	v30 =	vmul.f32 v38, v14;
	v28 =	vmul.f32 v23, v15;
	[tilespmem:s2+$0x0] =	vst v24  }
.Ltmp3:
0xa2: {  	vm1 =	veq.f32 v2, $0.0e+00;
	v2 =	vmovc v8;
	v8 =	vmovc v32;
	v15 =	vmul.f32 v25, v17;
	v33 =	vmul.f32 v27, v39;
	(pc) =	sbr.rel @p0 .LBB2_8-.Ltmp3, $4  }
0xa3: {  	v20 =	vsub.f32 $1.500000000e+00, v20;
	v17 =	vsub.f32 $1.500000000e+00, v28;
	v27 =	vmul.f32 v29, v26;
	v28 =	vld [tilespmem:s1+$0x0]  }
0xa4: {  	v32 =	vmul.f32 v19, v12;
	v12 =	vmovc v37;
	v29 =	vmul.f32 v16, v13;
	v26 =	vsub.f32 $1.500000000e+00, v33  }
0xa5: {  	v25 =	vsel vm1, $0x0, v31;
	v17 =	vmul.f32 v23, v17;
	v23 =	vmul.f32 v36, v20  }
0xa6: {  	s16 =	sadd.s32 $0x40, s16;
	v20 =	vmul.f32 v26, v39;
	v26 =	vsub.f32 $1.500000000e+00, v30;
	v30 =	vmul.f32 v32, v19;
	[tilespmem:s2+$0xFFFFFFF0] =	vst v25  }
0xa7: {  	v29 =	vmul.f32 v16, v29  }
0xa8: {  	v11 =	vmul.f32 v15, v11;
	v27 =	vsel vm0, $0x0, v27  }
0xa9: {  	v43 =	vmul.f32 v23, v12;
	v46 =	vmul.f32 v17, v21;
	v42 =	vsub.f32 $1.500000000e+00, v29  }
0xaa: {  	vm9 =	veq.f32 v4, $0.0e+00;
	vm10 =	veq.f32 v5, $0.0e+00;
	vm1 =	veq.f32 v3, $0.0e+00  }
0xab: {  	vm11 =	veq.f32 v2, $0.0e+00;
	v18 =	vmul.f32 v20, v18;
	v44 =	vmul.f32 v16, v42  }
0xac: {  	v24 =	vmul.f32 v24, v28;
	v30 =	vsub.f32 $1.500000000e+00, v30;
	v45 =	vmul.f32 v43, v23  }
0xad: {  	vm12 =	veq.f32 v10, $0.0e+00;
	v14 =	vmul.f32 v26, v14;
	v47 =	vmul.f32 v44, v13  }
0xae: {  	v31 =	vld [tilespmem:s1+$0xFFFFFFF0];
	v28 =	vmul.f32 v46, v17;
	v4 =	vmul.f32 v30, v19;
	v26 =	vsub.f32 $1.500000000e+00, v45  }
0xaf: {  	v22 =	vsel vm9, $0x0, v22;
	v9 =	vmul.f32 v14, v9;
	v19 =	vmul.f32 v47, v44  }
0xb0: {  	v11 =	vmul.f32 v11, v15;
	v28 =	vsub.f32 $1.500000000e+00, v28;
	v48 =	vmul.f32 v26, v23  }
0xb1: {  	v18 =	vmul.f32 v18, v20;
	v9 =	vmul.f32 v9, v14;
	v19 =	vsub.f32 $1.500000000e+00, v19  }
0xb2: {  	v11 =	vsub.f32 $1.500000000e+00, v11;
	v49 =	vmul.f32 v28, v17;
	v5 =	vmul.f32 v48, v12  }
0xb3: {  	[tilespmem:s2+$0xFFFFFFE0] =	vst v27;
	v25 =	vmul.f32 v25, v31;
	v4 =	vsel vm1, $0x0, v4;
	v50 =	vmul.f32 v19, v44  }
0xb4: {  	[tilespmem:s31+$0x0] =	vst v4;
	v9 =	vsub.f32 $1.500000000e+00, v9;
	v17 =	vmul.f32 v49, v21;
	v3 =	vmul.f32 v5, v48  }
0xb5: {  	[tilespmem:s31+$0x10] =	vst v22;
	v18 =	vsub.f32 $1.500000000e+00, v18;
	v11 =	vmul.f32 v11, v15;
	v53 =	vld [tilespmem:s3+$0x0];
	v5 =	vmul.f32 v50, v13  }
0xb6: {  	[tilespmem:s1+$0x0] =	vst v24;
	v9 =	vmul.f32 v9, v14;
	v52 =	vmul.f32 v17, v49;
	v2 =	vsub.f32 $1.500000000e+00, v3  }
0xb7: {  	v32 =	vld [tilespmem:s1+$0xFFFFFFE0];
	v51 =	vmul.f32 v18, v20;
	[tilespmem:s1+$0xFFFFFFF0] =	vst v25;
	v11 =	vsel vm11, $0x0, v11;
	v3 =	vmul.f32 v5, v50  }
0xb8: {  	[tilespmem:s31+$0xFFFFFFF0] =	vst v11;
	v9 =	vsel vm10, $0x0, v9;
	v13 =	vsub.f32 $1.500000000e+00, v52;
	v2 =	vmul.f32 v2, v48;
	v5 =	vld [tilespmem:s3+$0x10]  }
0xb9: {  	vm13 =	veq.f32 v7, $0.0e+00;
	v16 =	vsel vm12, $0x0, v51;
	v10 =	vld [tilespmem:s3+$0xFFFFFFF0];
	[tilespmem:s31+$0xFFFFFFE0] =	vst v9;
	v3 =	vsub.f32 $1.500000000e+00, v3  }
0xba: {  	[tilespmem:s0+$0x10] =	vst v16;
	v4 =	vmul.f32 v4, v53;
	v7 =	vld [tilespmem:s3+$0xFFFFFFE0];
	v13 =	vmul.f32 v13, v49;
	v2 =	vsel vm13, $0x0, v2  }
0xbb: {  	s4 =	sadd.s32 $0x40, s4;
	vm14 =	veq.f32 v8, $0.0e+00;
	[tilespmem:s0+$0x0] =	vst v2;
	v3 =	vmul.f32 v3, v50  }
0xbc: {  	vm15 =	veq.f32 v6, $0.0e+00;
	[tilespmem:s3+$0x0] =	vst v4;
	v6 =	vsel vm14, $0x0, v13;
	v54 =	vld [tilespmem:s4+$0x0]  }
0xbd: {  	v8 =	vld [tilespmem:s4+$0x10];
	[tilespmem:s0+$0xFFFFFFF0] =	vst v6;
	v5 =	vmul.f32 v22, v5;
	v3 =	vsel vm15, $0x0, v3  }
0xbe: {  	v27 =	vmul.f32 v27, v32;
	v55 =	vld [tilespmem:s4+$0xFFFFFFF0];
	[tilespmem:s0+$0xFFFFFFE0] =	vst v3  }
0xbf: {  	v4 =	vmul.f32 v9, v7;
	[tilespmem:s3+$0x10] =	vst v5;
	v5 =	vmul.f32 v11, v10;
	v10 =	vld [tilespmem:s4+$0xFFFFFFE0]  }
0xc0: {  	[tilespmem:s1+$0xFFFFFFE0] =	vst v27  }
0xc1: {  	[tilespmem:s3+$0xFFFFFFE0] =	vst v4;
	v2 =	vmul.f32 v2, v54  }
0xc2: {  	[tilespmem:s3+$0xFFFFFFF0] =	vst v5;
	v5 =	vmul.f32 v16, v8  }
0xc3: {  	v4 =	vmul.f32 v6, v55;
	[tilespmem:s4+$0x0] =	vst v2  }
0xc4: {  	[tilespmem:s4+$0x10] =	vst v5;
	v2 =	vmul.f32 v3, v10  }
0xc5: {  	[tilespmem:s4+$0xFFFFFFF0] =	vst v4  }
0xc6: {  	[tilespmem:s4+$0xFFFFFFE0] =	vst v2  }
0xc7: {  	[spmem:s11] =	stream.linear.scatter [tilespmem:s17], [sflag:$0x5], $0x280, $0x38;
	[tilespmem:$0x17000] =	vst v63  }
0xc8: {  	_ =	swait.ge [sflag:s19], $0x280  }
0xc9: {  	[sflag:s19] =	ssyncset.done $0x0  }
0xca: {  	[sflag:s19] =	ssyncadd.s32 $0xFFFFFD80  }
0xcb: {  	[spmem:s12] =	stream.linear.scatter [tilespmem:s18], [sflag:$0x5], $0x280, $0x38;
	[tilespmem:$0x17000] =	vst v63  }
0xcc: {  	_ =	swait.ge [sflag:s19], $0x280  }
0xcd: {  	[sflag:s19] =	ssyncset.done $0x0  }
0xce: {  	[sflag:s19] =	ssyncadd.s32 $0xFFFFFD80  }
0xcf: {  	[bflag:$0x0] =	sbarrier.arrive $0xFFFF  }
0xd0: {  	s15 =	rddreg [dreg:$0x3]  }
0xd1: {  	[tilespmem:s24], [sflag:$0x5] =	stream.linear.gather [spmem:s15], $0x2800, $0x38;
	[tilespmem:$0x17000] =	vst v63  }
0xd2: {  	_ =	swait.ge [sflag:s19], $0x2800  }
0xd3: {  	[sflag:s19] =	ssyncset.done $0x0  }
0xd4: {  	[sflag:s19] =	ssyncadd.s32 $0xFFFFD800  }
0xd5: {  	s16 =	rddreg [dreg:$0x4]  }
0xd6: {  	[tilespmem:s25], [sflag:$0x5] =	stream.linear.gather [spmem:s16], $0x2800, $0x38;
	[tilespmem:$0x17000] =	vst v63  }
0xd7: {  	_ =	swait.ge [sflag:s19], $0x2800  }
0xd8: {  	[sflag:s19] =	ssyncset.done $0x0  }
0xd9: {  	[sflag:s19] =	ssyncadd.s32 $0xFFFFD800  }
0xda: {  	_ =	swait.ge [sflag:s26], $0x2710  }
0xdb: {  	[sflag:s26] =	ssyncset.done $0x0  }
0xdc: {  	[sflag:s26] =	ssyncadd.s32 $0xFFFFD8F0  }
0xdd: {  	_ =	swait.ge [sflag:s28], $0x2710  }
0xde: {  	[sflag:s28] =	ssyncset.done $0x0  }
0xdf: {  	s31 =	simm.s32 $0xF240;
	[sflag:s28] =	ssyncadd.s32 $0xFFFFD8F0  }
0xe0: {  	s0 =	simm.s32 $0x119C0;
	v2 =	vld [tilespmem:s31+$0x30]  }
0xe1: {  	v3 =	vld [tilespmem:s0+$0x30]  }
0xe2: {  	v4 =	vld [tilespmem:s0+$0xFFFFFFC0]  }
0xe3: {  	v5 =	vld [tilespmem:s31+$0xFFFFFFD0]  }
0xe4: {  	v6 =	vld [tilespmem:s0+$0xFFFFFFD0]  }
0xe5: {  	v7 =	vld [tilespmem:s31+$0xFFFFFFE0]  }
0xe6: {  	v8 =	vld [tilespmem:s0+$0xFFFFFFE0]  }
0xe7: {  	v9 =	vld [tilespmem:s31+$0xFFFFFFF0]  }
0xe8: {  	v11 =	vld [tilespmem:s31+$0x0]  }
0xe9: {  	v56 =	vld [tilespmem:s0+$0x0]  }
0xea: {  	v57 =	vld [tilespmem:s31+$0x10]  }
0xeb: {  	v58 =	vld [tilespmem:s0+$0x10]  }
0xec: {  	v59 =	vld [tilespmem:s31+$0x20]  }
0xed: {  	v60 =	vld [tilespmem:s0+$0x20]  }
0xee: {  	v61 =	vld [tilespmem:s31+$0xFFFFFFC0]  }
0xef: {  	v10 =	vld.idx.msk [tilespmem:v2+s24+$0x0], $0xffff  }
0xf0: {  	v3 =	vld.idx.msk [tilespmem:v3+s25+$0x0], $0xffff  }
0xf1: {  	v2 =	vld [tilespmem:s0+$0xFFFFFFF0]  }
0xf2: {  	v62 =	vld.idx.msk [tilespmem:v4+s25+$0x0], $0xffff  }
0xf3: {  	v5 =	vld.idx.msk [tilespmem:v5+s24+$0x0], $0xffff  }
0xf4: {  	v6 =	vld.idx.msk [tilespmem:v6+s25+$0x0], $0xffff  }
0xf5: {  	v7 =	vld.idx.msk [tilespmem:v7+s24+$0x0], $0xffff  }
0xf6: {  	v8 =	vld.idx.msk [tilespmem:v8+s25+$0x0], $0xffff  }
0xf7: {  	v9 =	vld.idx.msk [tilespmem:v9+s24+$0x0], $0xffff  }
0xf8: {  	v17 =	vld.idx.msk [tilespmem:v61+s24+$0x0], $0xffff  }
0xf9: {  	v63 =	vld.idx.msk [tilespmem:v2+s25+$0x0], $0xffff  }
0xfa: {  	v4 =	vld.idx.msk [tilespmem:v56+s25+$0x0], $0xffff  }
0xfb: {  	v10 =	vmul.f32 v3, v10;
	v3 =	vld.idx.msk [tilespmem:v57+s24+$0x0], $0xffff  }
0xfc: {  	s1 =	simm.s32 $0x14140;
	v5 =	vmul.f32 v6, v5;
	v2 =	vld.idx.msk [tilespmem:v11+s24+$0x0], $0xffff  }
0xfd: {  	v7 =	vmul.f32 v8, v7;
	v6 =	vld.idx.msk [tilespmem:v58+s25+$0x0], $0xffff;
	[tilespmem:s1+$0x30] =	vst v10  }
0xfe: {  	[tilespmem:s1+$0xFFFFFFD0] =	vst v5;
	v5 =	vld.idx.msk [tilespmem:v59+s24+$0x0], $0xffff;
	v9 =	vmul.f32 v63, v9  }
0xff: {  	s2 =	simm.s32 $0x0;
	s3 =	simm.s32 $0xF2C0;
	v8 =	vmul.f32 v62, v17;
	[tilespmem:s1+$0xFFFFFFE0] =	vst v7;
	v7 =	vld.idx.msk [tilespmem:v60+s25+$0x0], $0xffff  }
.LBB2_10:
0x100: {  	v10 =	vld [tilespmem:s3+$0x30];
	[tilespmem:s1+$0xFFFFFFF0] =	vst v9;
	s0 =	sadd.s32 $0x80, s0  }
0x101: {  	s2 =	sadd.s32 $0x8, s2;
	v2 =	vmul.f32 v4, v2;
	v9 =	vld [tilespmem:s0+$0x30];
	[tilespmem:s1+$0xFFFFFFC0] =	vst v8  }
0x102: {  	p0 =	slt.u32 s2, $0x268;
	v4 =	vld [tilespmem:s0+$0xFFFFFFC0]  }
0x103: {  	v8 =	vld [tilespmem:s3+$0xFFFFFFD0];
	[tilespmem:s1+$0x0] =	vst v2;
	v2 =	vmul.f32 v6, v3  }
0x104: {  	v3 =	vld [tilespmem:s0+$0xFFFFFFD0]  }
0x105: {  	v6 =	vld [tilespmem:s3+$0xFFFFFFE0];
	[tilespmem:s1+$0x10] =	vst v2;
	v2 =	vmul.f32 v7, v5  }
0x106: {  	v5 =	vld [tilespmem:s0+$0xFFFFFFE0]  }
0x107: {  	v7 =	vld [tilespmem:s3+$0xFFFFFFF0];
	[tilespmem:s1+$0x20] =	vst v2  }
0x108: {  	v2 =	vld.idx.msk [tilespmem:v10+s24+$0x0], $0xffff  }
0x109: {  	v9 =	vld.idx.msk [tilespmem:v9+s25+$0x0], $0xffff  }
0x10a: {  	v10 =	vld [tilespmem:s0+$0xFFFFFFF0]  }
0x10b: {  	v11 =	vld [tilespmem:s3+$0x0]  }
0x10c: {  	v12 =	vld [tilespmem:s0+$0x0]  }
0x10d: {  	v13 =	vld [tilespmem:s3+$0x10]  }
0x10e: {  	v14 =	vld [tilespmem:s0+$0x10]  }
0x10f: {  	v2 =	vmul.f32 v9, v2;
	v15 =	vld [tilespmem:s3+$0x20]  }
0x110: {  	s1 =	sadd.s32 $0x80, s1;
	v16 =	vld [tilespmem:s0+$0x20]  }
0x111: {  	v9 =	vld [tilespmem:s3+$0xFFFFFFC0];
	[tilespmem:s1+$0x30] =	vst v2  }
0x112: {  	v17 =	vld.idx.msk [tilespmem:v4+s25+$0x0], $0xffff  }
0x113: {  	v2 =	vld.idx.msk [tilespmem:v8+s24+$0x0], $0xffff  }
0x114: {  	v3 =	vld.idx.msk [tilespmem:v3+s25+$0x0], $0xffff  }
0x115: {  	v6 =	vld.idx.msk [tilespmem:v6+s24+$0x0], $0xffff  }
0x116: {  	v5 =	vld.idx.msk [tilespmem:v5+s25+$0x0], $0xffff  }
0x117: {  	v7 =	vld.idx.msk [tilespmem:v7+s24+$0x0], $0xffff  }
0x118: {  	v8 =	vld.idx.msk [tilespmem:v10+s25+$0x0], $0xffff  }
0x119: {  	v10 =	vld.idx.msk [tilespmem:v9+s24+$0x0], $0xffff  }
0x11a: {  	v3 =	vmul.f32 v3, v2;
	v2 =	vld.idx.msk [tilespmem:v11+s24+$0x0], $0xffff  }
.Ltmp4:
0x11b: {  	v4 =	vld.idx.msk [tilespmem:v12+s25+$0x0], $0xffff;
	(pc) =	sbr.rel @p0 .LBB2_10-.Ltmp4, $4  }
0x11c: {  	v5 =	vmul.f32 v5, v6;
	[tilespmem:s1+$0xFFFFFFD0] =	vst v3;
	v3 =	vld.idx.msk [tilespmem:v13+s24+$0x0], $0xffff  }
0x11d: {  	v6 =	vld.idx.msk [tilespmem:v14+s25+$0x0], $0xffff  }
0x11e: {  	v9 =	vmul.f32 v8, v7;
	[tilespmem:s1+$0xFFFFFFE0] =	vst v5;
	v5 =	vld.idx.msk [tilespmem:v15+s24+$0x0], $0xffff  }
0x11f: {  	s3 =	sadd.s32 $0x80, s3;
	v8 =	vmul.f32 v17, v10;
	v7 =	vld.idx.msk [tilespmem:v16+s25+$0x0], $0xffff  }
0x120: {  	_ =	sdelay $0x1  }
0x121: {  	[tilespmem:s1+$0xFFFFFFF0] =	vst v9;
	v2 =	vmul.f32 v4, v2  }
0x122: {  	[tilespmem:s1+$0xFFFFFFC0] =	vst v8;
	v3 =	vmul.f32 v6, v3  }
0x123: {  	[tilespmem:s1+$0x0] =	vst v2;
	v2 =	vmul.f32 v7, v5  }
0x124: {  	[tilespmem:s1+$0x10] =	vst v3  }
0x125: {  	[tilespmem:s1+$0x20] =	vst v2  }
0x126: {  	v2 =	vld [tilespmem:$0x11900]  }
0x127: {  	v3 =	vld [tilespmem:$0x14080];
	_ =	sdelay $0x6  }
0x128: {  	v2 =	vld.idx.msk [tilespmem:v2+s24+$0x0], $0xffff  }
0x129: {  	v3 =	vld.idx.msk [tilespmem:v3+s25+$0x0], $0xffff;
	_ =	sdelay $0x4  }
0x12a: {  	s30 =	sadd.s32 $0x1, s30;
	v2 =	vmul.f32 v3, v2  }
0x12b: {  	p0 =	sne.s32 s30, s14  }
.Ltmp5:
0x12c: {  	[tilespmem:$0x16800] =	vst v2;
	(pc) =	sbr.rel @p0 .LBB2_1-.Ltmp5, $4  }
0x12d: {  	[hbm4b:s13+s5] =	stream.linear.scatter [tilespmem:s29], [sflag:$0x5], $0x2710, $0x38;
	[tilespmem:$0x17000] =	vst v63  }
0x12e: {  	_ =	swait.ge [sflag:s19], $0x2710  }
0x12f: {  	[sflag:s19] =	ssyncset.done $0x0  }
0x130: {  	[sflag:s19] =	ssyncadd.s32 $0xFFFFD8F0  }
0x131: {  	_ =	sfence.sel $0x180000  }
0x132: {  	[bflag:$0x0] =	sbarrier.arrive $0xFFFF  }
0x133: {  	_ =	strace $0x90000047  }
0x134: {  	s0 =	stileid.u32;
	[bflag:$0x2] =	sbarrier.arrive $0xFFFF  }
0x135: {  	p0 =	sne.s32 s0, $0x0;
	s0 =	rddreg [dreg:$0x5]  }
0x136: {  	s0 =	sadd.s32 @!p0 $0x100000, s0  }
0x137: {  	[sflag:s0] =	ssyncadd.tile.s32 @!p0 $0x1;
	_ =	shalt  }
.Lfunc_end2:
_tile_overlayer_lowered:
.L_overlay_start_2:
0x138: {  	(tag) =	ssettag $0x2  }
0x139: {  	s0 =	rddreg [dreg:$0x0];
	s2 =	stileid.u32  }
0x13a: {  	s1 =	rddreg [dreg:$0x1];
	p0 =	sne.s32 s2, $0x0  }
0x13b: {  	s3 =	rddreg [dreg:$0x2];
	[bflag:$0x3] =	sbarrier.arrive $0xFFFF;
	s2 =	simm.s32 @!p0 $0x1C05  }
0x13c: {  	[timem:s3], [sflag:s2] =	dma.local @!p0 [hbm:s0], s1  }
0x13d: {  	s0 =	simm.s32 @!p0 $0x5  }
0x13e: {  	_ =	swait.ge @!p0 [sflag:s0], s1  }
0x13f: {  	s1 =	ssub.s32 @!p0 $0x0, s1;
	[sflag:s0] =	ssyncset.done @!p0 $0x0  }
0x140: {  	[sflag:s0] =	ssyncadd.s32 @!p0 s1  }
0x141: {  	[bflag:$0x3] =	sbarrier.arrive $0xFFFF  }
0x142: {  	_ =	shalt  }

</sc_bundles>
